<compile_context>
chip_gen: v7x
topology: tpu7x:2x2x1
jax: 0.10.2.dev20260603
libtpu: 0.0.44.dev20260713+nightly
codegen_flags: <defaults>
</compile_context>

<pallas_src>
import jax
import jax.numpy as jnp
from jax import lax
from jax.experimental import pallas as pl
from jax.experimental.pallas import tpu as pltpu
from jax.experimental.pallas import tpu_sc as plsc

DIM0 = 100000
EMB_DIM = 128
N = 16384

NUM_CORES = 2
NUM_SUBCORES = 16
NW = NUM_CORES * NUM_SUBCORES
ROWS_PER_W = N // NW
CHUNK = 64
NCHUNK = ROWS_PER_W // CHUNK


def _sc_kernel(xc_hbm, emb0_hbm, emb1_hbm, out_hbm,
               idx_v, bufv, gsem, ssem):
    wid = lax.axis_index("s") * NUM_CORES + lax.axis_index("c")
    base = wid * ROWS_PER_W

    pltpu.sync_copy(xc_hbm.at[wid], idx_v)

    cp0 = [pltpu.async_copy(emb0_hbm.at[idx_v.at[0, j]], bufv.at[j],
                            gsem.at[j])
           for j in range(NCHUNK)]
    cp1 = [None] * NCHUNK
    for j in range(NCHUNK):
        cp0[j].wait()
        cp1[j] = pltpu.async_copy(emb1_hbm.at[idx_v.at[1, j]], bufv.at[j],
                                  gsem.at[j], add=True)
    st = [None] * NCHUNK
    for j in range(NCHUNK):
        cp1[j].wait()
        st[j] = pltpu.async_copy(
            bufv.at[j], out_hbm.at[pl.ds(base + j * CHUNK, CHUNK)],
            ssem.at[j])
    for j in range(NCHUNK):
        st[j].wait()


def kernel(x, emb0, emb1):
    x = x.astype(jnp.int32)
    xc = x.reshape(NW, NCHUNK, CHUNK, 2).transpose(0, 3, 1, 2)

    mesh = plsc.VectorSubcoreMesh(core_axis_name="c", subcore_axis_name="s")
    run = pl.kernel(
        _sc_kernel,
        mesh=mesh,
        out_type=jax.ShapeDtypeStruct((N, EMB_DIM), jnp.float32),
        scratch_types=[
            pltpu.VMEM((2, NCHUNK, CHUNK), jnp.int32),
            pltpu.VMEM((NCHUNK, CHUNK, EMB_DIM), jnp.float32),
            pltpu.SemaphoreType.DMA((NCHUNK,)),
            pltpu.SemaphoreType.DMA((NCHUNK,)),
        ],
    )
    return run(xc, emb0, emb1)

# --- scband reference (transcript-rebuilt; emitter-appended) ---
"""Pipeline reference for scband-bottleneck-encoder-86844238725269 (READ-ONLY COPY).

The authoritative reference and input builder live on the scoring server;
editing this copy changes nothing except your own understanding.
"""

import jax, jax.numpy as jnp
import numpy as np

DIM0 = 100000  # cfg.share.dim0
EMB_DIM = 128
N = 16384

def setup_inputs(seed: int = 0) -> dict:
    key = jax.random.key(seed)
    k1, k2, k3 = jax.random.split(key, 3)
    x = jax.random.randint(k1, (N, 2), 0, DIM0)  # values in [0, DIM0), tables have DIM0+1 rows
    emb0 = jax.random.normal(k2, (DIM0 + 1, EMB_DIM), dtype=jnp.float32)
    emb1 = jax.random.normal(k3, (DIM0 + 1, EMB_DIM), dtype=jnp.float32)
    return {"x": x, "emb0": emb0, "emb1": emb1}

def reference(x, emb0, emb1):
    # BottleneckEncoder.forward: embed column 0 and column 1, sum
    out = jnp.take(emb0, x[:, 0], axis=0) + jnp.take(emb1, x[:, 1], axis=0)
    return out

if __name__ == "__main__":
    import jax
    _d = setup_inputs()
    print(jax.jit(kernel)(*tuple(_d.values())))

</pallas_src>

<mosaic_0001>
#map = affine_map<(d0, d1) -> (0, 0, 0, 0)>
#map1 = affine_map<(d0, d1) -> (0, 0)>
module attributes {stable_mosaic.version = 14 : i64} {
  func.func @_sc_kernel(%arg0: i32, %arg1: i32, %arg2: memref<32x2x8x64xi32, #tpu.memory_space<hbm>>, %arg3: memref<100001x128xf32, #tpu.memory_space<hbm>>, %arg4: memref<100001x128xf32, #tpu.memory_space<hbm>>, %arg5: memref<16384x128xf32, #tpu.memory_space<hbm>>, %arg6: memref<2x8x64xi32, #tpu.memory_space<vmem>>, %arg7: memref<8x64x128xf32, #tpu.memory_space<vmem>>, %arg8: memref<8x!tpu.dma_semaphore, #tpu.memory_space<semaphore_mem>>, %arg9: memref<8x!tpu.dma_semaphore, #tpu.memory_space<semaphore_mem>>) attributes {dimension_semantics = [#tpu.dimension_semantics<core_parallel>, #tpu.dimension_semantics<subcore_parallel>], iteration_bounds = array<i64: 2, 16>, scalar_prefetch = 0 : i64, scratch_operands = 4 : i64, tpu.core_type = #tpu.core_type<sc_vector_subcore>, window_params = [{transform_indices = #map}, {transform_indices = #map1}, {transform_indices = #map1}, {transform_indices = #map1}]} {
    %mul3A = arith.constant 2 : i32
    %mul3A_0 = arith.muli %arg1, %mul3A : i32
    %add3A = arith.addi %mul3A_0, %arg0 : i32
    %mul3A_1 = arith.constant 512 : i32
    %mul3A_2 = arith.muli %add3A, %mul3A_1 : i32
    "tpu.region"() ({
      %run_scoped3A = tpu.sem_alloc : memref<!tpu.dma_semaphore, #tpu.memory_space<semaphore_mem>>
      %dma_start3A_785 = arith.constant 0 : i32
      %dma_start3A_786 = arith.constant 0 : i32
      %dma_start3A_787 = arith.constant 0 : i32
      %dma_start3A_788 = tpu.memref_slice %arg2[%add3A, %dma_start3A_785, %dma_start3A_786, %dma_start3A_787] : memref<32x2x8x64xi32, #tpu.memory_space<hbm>> -> memref<1x2x8x64xi32, #tpu.memory_space<hbm>>
      %dma_start3A_789 = tpu.memref_squeeze %dma_start3A_788 : memref<1x2x8x64xi32, #tpu.memory_space<hbm>> -> memref<2x8x64xi32, #tpu.memory_space<hbm>>
      %dma_start3A_790 = arith.constant 0 : i32
      %dma_start3A_791 = arith.constant 0 : i32
      %dma_start3A_792 = arith.constant 0 : i32
      %dma_start3A_793 = tpu.memref_slice %arg2[%add3A, %dma_start3A_790, %dma_start3A_791, %dma_start3A_792] : memref<32x2x8x64xi32, #tpu.memory_space<hbm>> -> memref<1x2x8x64xi32, #tpu.memory_space<hbm>>
      %dma_start3A_794 = tpu.memref_squeeze %dma_start3A_793 : memref<1x2x8x64xi32, #tpu.memory_space<hbm>> -> memref<2x8x64xi32, #tpu.memory_space<hbm>>
      tpu.enqueue_dma source(%dma_start3A_794 : memref<2x8x64xi32, #tpu.memory_space<hbm>>) target(%arg6 : memref<2x8x64xi32, #tpu.memory_space<vmem>>) target_semaphore(%run_scoped3A : memref<!tpu.dma_semaphore, #tpu.memory_space<semaphore_mem>>)
      %dma_wait3A_795 = arith.constant 0 : i32
      %dma_wait3A_796 = arith.constant 0 : i32
      %dma_wait3A_797 = arith.constant 0 : i32
      %dma_wait3A_798 = tpu.memref_slice %arg2[%add3A, %dma_wait3A_795, %dma_wait3A_796, %dma_wait3A_797] : memref<32x2x8x64xi32, #tpu.memory_space<hbm>> -> memref<1x2x8x64xi32, #tpu.memory_space<hbm>>
      %dma_wait3A_799 = tpu.memref_squeeze %dma_wait3A_798 : memref<1x2x8x64xi32, #tpu.memory_space<hbm>> -> memref<2x8x64xi32, #tpu.memory_space<hbm>>
      %dma_wait3A_800 = arith.constant 0 : i32
      %dma_wait3A_801 = arith.constant 0 : i32
      %dma_wait3A_802 = arith.constant 0 : i32
      %dma_wait3A_803 = tpu.memref_slice %arg2[%add3A, %dma_wait3A_800, %dma_wait3A_801, %dma_wait3A_802] : memref<32x2x8x64xi32, #tpu.memory_space<hbm>> -> memref<1x2x8x64xi32, #tpu.memory_space<hbm>>
      %dma_wait3A_804 = tpu.memref_squeeze %dma_wait3A_803 : memref<1x2x8x64xi32, #tpu.memory_space<hbm>> -> memref<2x8x64xi32, #tpu.memory_space<hbm>>
      tpu.wait_dma2 semaphore(%run_scoped3A : memref<!tpu.dma_semaphore, #tpu.memory_space<semaphore_mem>>) src(%dma_wait3A_804 : memref<2x8x64xi32, #tpu.memory_space<hbm>>) dst(%arg6 : memref<2x8x64xi32, #tpu.memory_space<vmem>>)
      tpu.yield
    }) : () -> ()
    %dma_start3A = arith.constant 0 : i32
    %dma_start3A_3 = arith.constant 0 : i32
    %dma_start3A_4 = arith.constant 0 : i32
    %dma_start3A_5 = arith.constant 0 : i32
    %dma_start3A_6 = arith.constant 0 : i32
    %dma_start3A_7 = arith.constant 0 : i32
    %dma_start3A_8 = tpu.memref_slice %arg7[%dma_start3A_4, %dma_start3A_6, %dma_start3A_7] : memref<8x64x128xf32, #tpu.memory_space<vmem>> -> memref<1x64x128xf32, #tpu.memory_space<vmem>>
    %dma_start3A_9 = tpu.memref_squeeze %dma_start3A_8 : memref<1x64x128xf32, #tpu.memory_space<vmem>> -> memref<64x128xf32, #tpu.memory_space<vmem>>
    %dma_start3A_10 = arith.constant 0 : i32
    %dma_start3A_11 = tpu.memref_slice %arg6[%dma_start3A, %dma_start3A_3, %dma_start3A_10] : memref<2x8x64xi32, #tpu.memory_space<vmem>> -> memref<1x1x64xi32, #tpu.memory_space<vmem>>
    %dma_start3A_12 = tpu.memref_squeeze %dma_start3A_11 : memref<1x1x64xi32, #tpu.memory_space<vmem>> -> memref<64xi32, #tpu.memory_space<vmem>>
    %dma_start3A_13 = arith.constant 0 : i32
    %dma_start3A_14 = arith.constant 0 : i32
    %dma_start3A_15 = tpu.memref_slice %arg3[%dma_start3A_13, %dma_start3A_14] : memref<100001x128xf32, #tpu.memory_space<hbm>> -> memref<100001x128xf32, #tpu.memory_space<hbm>>
    %dma_start3A_16 = tpu.memref_slice %arg8[%dma_start3A_5] : memref<8x!tpu.dma_semaphore, #tpu.memory_space<semaphore_mem>> -> memref<1x!tpu.dma_semaphore, #tpu.memory_space<semaphore_mem>>
    %dma_start3A_17 = tpu.memref_squeeze %dma_start3A_16 : memref<1x!tpu.dma_semaphore, #tpu.memory_space<semaphore_mem>> -> memref<!tpu.dma_semaphore, #tpu.memory_space<semaphore_mem>>
    tpu.enqueue_indirect_dma source(%dma_start3A_15 : memref<100001x128xf32, #tpu.memory_space<hbm>>) target(%dma_start3A_9 : memref<64x128xf32, #tpu.memory_space<vmem>>) offsets(%dma_start3A_12 : memref<64xi32, #tpu.memory_space<vmem>>) semaphore(%dma_start3A_17 : memref<!tpu.dma_semaphore, #tpu.memory_space<semaphore_mem>>)
    %dma_start3A_18 = arith.constant 0 : i32
    %dma_start3A_19 = arith.constant 1 : i32
    %dma_start3A_20 = arith.constant 1 : i32
    %dma_start3A_21 = arith.constant 1 : i32
    %dma_start3A_22 = arith.constant 0 : i32
    %dma_start3A_23 = arith.constant 0 : i32
    %dma_start3A_24 = tpu.memref_slice %arg7[%dma_start3A_20, %dma_start3A_22, %dma_start3A_23] : memref<8x64x128xf32, #tpu.memory_space<vmem>> -> memref<1x64x128xf32, #tpu.memory_space<vmem>>
    %dma_start3A_25 = tpu.memref_squeeze %dma_start3A_24 : memref<1x64x128xf32, #tpu.memory_space<vmem>> -> memref<64x128xf32, #tpu.memory_space<vmem>>
    %dma_start3A_26 = arith.constant 0 : i32
    %dma_start3A_27 = tpu.memref_slice %arg6[%dma_start3A_18, %dma_start3A_19, %dma_start3A_26] : memref<2x8x64xi32, #tpu.memory_space<vmem>> -> memref<1x1x64xi32, #tpu.memory_space<vmem>>
    %dma_start3A_28 = tpu.memref_squeeze %dma_start3A_27 : memref<1x1x64xi32, #tpu.memory_space<vmem>> -> memref<64xi32, #tpu.memory_space<vmem>>
    %dma_start3A_29 = arith.constant 0 : i32
    %dma_start3A_30 = arith.constant 0 : i32
    %dma_start3A_31 = tpu.memref_slice %arg3[%dma_start3A_29, %dma_start3A_30] : memref<100001x128xf32, #tpu.memory_space<hbm>> -> memref<100001x128xf32, #tpu.memory_space<hbm>>
    %dma_start3A_32 = tpu.memref_slice %arg8[%dma_start3A_21] : memref<8x!tpu.dma_semaphore, #tpu.memory_space<semaphore_mem>> -> memref<1x!tpu.dma_semaphore, #tpu.memory_space<semaphore_mem>>
    %dma_start3A_33 = tpu.memref_squeeze %dma_start3A_32 : memref<1x!tpu.dma_semaphore, #tpu.memory_space<semaphore_mem>> -> memref<!tpu.dma_semaphore, #tpu.memory_space<semaphore_mem>>
    tpu.enqueue_indirect_dma source(%dma_start3A_31 : memref<100001x128xf32, #tpu.memory_space<hbm>>) target(%dma_start3A_25 : memref<64x128xf32, #tpu.memory_space<vmem>>) offsets(%dma_start3A_28 : memref<64xi32, #tpu.memory_space<vmem>>) semaphore(%dma_start3A_33 : memref<!tpu.dma_semaphore, #tpu.memory_space<semaphore_mem>>)
    %dma_start3A_34 = arith.constant 0 : i32
    %dma_start3A_35 = arith.constant 2 : i32
    %dma_start3A_36 = arith.constant 2 : i32
    %dma_start3A_37 = arith.constant 2 : i32
    %dma_start3A_38 = arith.constant 0 : i32
    %dma_start3A_39 = arith.constant 0 : i32
    %dma_start3A_40 = tpu.memref_slice %arg7[%dma_start3A_36, %dma_start3A_38, %dma_start3A_39] : memref<8x64x128xf32, #tpu.memory_space<vmem>> -> memref<1x64x128xf32, #tpu.memory_space<vmem>>
    %dma_start3A_41 = tpu.memref_squeeze %dma_start3A_40 : memref<1x64x128xf32, #tpu.memory_space<vmem>> -> memref<64x128xf32, #tpu.memory_space<vmem>>
    %dma_start3A_42 = arith.constant 0 : i32
    %dma_start3A_43 = tpu.memref_slice %arg6[%dma_start3A_34, %dma_start3A_35, %dma_start3A_42] : memref<2x8x64xi32, #tpu.memory_space<vmem>> -> memref<1x1x64xi32, #tpu.memory_space<vmem>>
    %dma_start3A_44 = tpu.memref_squeeze %dma_start3A_43 : memref<1x1x64xi32, #tpu.memory_space<vmem>> -> memref<64xi32, #tpu.memory_space<vmem>>
    %dma_start3A_45 = arith.constant 0 : i32
    %dma_start3A_46 = arith.constant 0 : i32
    %dma_start3A_47 = tpu.memref_slice %arg3[%dma_start3A_45, %dma_start3A_46] : memref<100001x128xf32, #tpu.memory_space<hbm>> -> memref<100001x128xf32, #tpu.memory_space<hbm>>
    %dma_start3A_48 = tpu.memref_slice %arg8[%dma_start3A_37] : memref<8x!tpu.dma_semaphore, #tpu.memory_space<semaphore_mem>> -> memref<1x!tpu.dma_semaphore, #tpu.memory_space<semaphore_mem>>
    %dma_start3A_49 = tpu.memref_squeeze %dma_start3A_48 : memref<1x!tpu.dma_semaphore, #tpu.memory_space<semaphore_mem>> -> memref<!tpu.dma_semaphore, #tpu.memory_space<semaphore_mem>>
    tpu.enqueue_indirect_dma source(%dma_start3A_47 : memref<100001x128xf32, #tpu.memory_space<hbm>>) target(%dma_start3A_41 : memref<64x128xf32, #tpu.memory_space<vmem>>) offsets(%dma_start3A_44 : memref<64xi32, #tpu.memory_space<vmem>>) semaphore(%dma_start3A_49 : memref<!tpu.dma_semaphore, #tpu.memory_space<semaphore_mem>>)
    %dma_start3A_50 = arith.constant 0 : i32
    %dma_start3A_51 = arith.constant 3 : i32
    %dma_start3A_52 = arith.constant 3 : i32
    %dma_start3A_53 = arith.constant 3 : i32
    %dma_start3A_54 = arith.constant 0 : i32
    %dma_start3A_55 = arith.constant 0 : i32
    %dma_start3A_56 = tpu.memref_slice %arg7[%dma_start3A_52, %dma_start3A_54, %dma_start3A_55] : memref<8x64x128xf32, #tpu.memory_space<vmem>> -> memref<1x64x128xf32, #tpu.memory_space<vmem>>
    %dma_start3A_57 = tpu.memref_squeeze %dma_start3A_56 : memref<1x64x128xf32, #tpu.memory_space<vmem>> -> memref<64x128xf32, #tpu.memory_space<vmem>>
    %dma_start3A_58 = arith.constant 0 : i32
    %dma_start3A_59 = tpu.memref_slice %arg6[%dma_start3A_50, %dma_start3A_51, %dma_start3A_58] : memref<2x8x64xi32, #tpu.memory_space<vmem>> -> memref<1x1x64xi32, #tpu.memory_space<vmem>>
    %dma_start3A_60 = tpu.memref_squeeze %dma_start3A_59 : memref<1x1x64xi32, #tpu.memory_space<vmem>> -> memref<64xi32, #tpu.memory_space<vmem>>
    %dma_start3A_61 = arith.constant 0 : i32
    %dma_start3A_62 = arith.constant 0 : i32
    %dma_start3A_63 = tpu.memref_slice %arg3[%dma_start3A_61, %dma_start3A_62] : memref<100001x128xf32, #tpu.memory_space<hbm>> -> memref<100001x128xf32, #tpu.memory_space<hbm>>
    %dma_start3A_64 = tpu.memref_slice %arg8[%dma_start3A_53] : memref<8x!tpu.dma_semaphore, #tpu.memory_space<semaphore_mem>> -> memref<1x!tpu.dma_semaphore, #tpu.memory_space<semaphore_mem>>
    %dma_start3A_65 = tpu.memref_squeeze %dma_start3A_64 : memref<1x!tpu.dma_semaphore, #tpu.memory_space<semaphore_mem>> -> memref<!tpu.dma_semaphore, #tpu.memory_space<semaphore_mem>>
    tpu.enqueue_indirect_dma source(%dma_start3A_63 : memref<100001x128xf32, #tpu.memory_space<hbm>>) target(%dma_start3A_57 : memref<64x128xf32, #tpu.memory_space<vmem>>) offsets(%dma_start3A_60 : memref<64xi32, #tpu.memory_space<vmem>>) semaphore(%dma_start3A_65 : memref<!tpu.dma_semaphore, #tpu.memory_space<semaphore_mem>>)
    %dma_start3A_66 = arith.constant 0 : i32
    %dma_start3A_67 = arith.constant 4 : i32
    %dma_start3A_68 = arith.constant 4 : i32
    %dma_start3A_69 = arith.constant 4 : i32
    %dma_start3A_70 = arith.constant 0 : i32
    %dma_start3A_71 = arith.constant 0 : i32
    %dma_start3A_72 = tpu.memref_slice %arg7[%dma_start3A_68, %dma_start3A_70, %dma_start3A_71] : memref<8x64x128xf32, #tpu.memory_space<vmem>> -> memref<1x64x128xf32, #tpu.memory_space<vmem>>
    %dma_start3A_73 = tpu.memref_squeeze %dma_start3A_72 : memref<1x64x128xf32, #tpu.memory_space<vmem>> -> memref<64x128xf32, #tpu.memory_space<vmem>>
    %dma_start3A_74 = arith.constant 0 : i32
    %dma_start3A_75 = tpu.memref_slice %arg6[%dma_start3A_66, %dma_start3A_67, %dma_start3A_74] : memref<2x8x64xi32, #tpu.memory_space<vmem>> -> memref<1x1x64xi32, #tpu.memory_space<vmem>>
    %dma_start3A_76 = tpu.memref_squeeze %dma_start3A_75 : memref<1x1x64xi32, #tpu.memory_space<vmem>> -> memref<64xi32, #tpu.memory_space<vmem>>
    %dma_start3A_77 = arith.constant 0 : i32
    %dma_start3A_78 = arith.constant 0 : i32
    %dma_start3A_79 = tpu.memref_slice %arg3[%dma_start3A_77, %dma_start3A_78] : memref<100001x128xf32, #tpu.memory_space<hbm>> -> memref<100001x128xf32, #tpu.memory_space<hbm>>
    %dma_start3A_80 = tpu.memref_slice %arg8[%dma_start3A_69] : memref<8x!tpu.dma_semaphore, #tpu.memory_space<semaphore_mem>> -> memref<1x!tpu.dma_semaphore, #tpu.memory_space<semaphore_mem>>
    %dma_start3A_81 = tpu.memref_squeeze %dma_start3A_80 : memref<1x!tpu.dma_semaphore, #tpu.memory_space<semaphore_mem>> -> memref<!tpu.dma_semaphore, #tpu.memory_space<semaphore_mem>>
    tpu.enqueue_indirect_dma source(%dma_start3A_79 : memref<100001x128xf32, #tpu.memory_space<hbm>>) target(%dma_start3A_73 : memref<64x128xf32, #tpu.memory_space<vmem>>) offsets(%dma_start3A_76 : memref<64xi32, #tpu.memory_space<vmem>>) semaphore(%dma_start3A_81 : memref<!tpu.dma_semaphore, #tpu.memory_space<semaphore_mem>>)
    %dma_start3A_82 = arith.constant 0 : i32
    %dma_start3A_83 = arith.constant 5 : i32
    %dma_start3A_84 = arith.constant 5 : i32
    %dma_start3A_85 = arith.constant 5 : i32
    %dma_start3A_86 = arith.constant 0 : i32
    %dma_start3A_87 = arith.constant 0 : i32
    %dma_start3A_88 = tpu.memref_slice %arg7[%dma_start3A_84, %dma_start3A_86, %dma_start3A_87] : memref<8x64x128xf32, #tpu.memory_space<vmem>> -> memref<1x64x128xf32, #tpu.memory_space<vmem>>
    %dma_start3A_89 = tpu.memref_squeeze %dma_start3A_88 : memref<1x64x128xf32, #tpu.memory_space<vmem>> -> memref<64x128xf32, #tpu.memory_space<vmem>>
    %dma_start3A_90 = arith.constant 0 : i32
    %dma_start3A_91 = tpu.memref_slice %arg6[%dma_start3A_82, %dma_start3A_83, %dma_start3A_90] : memref<2x8x64xi32, #tpu.memory_space<vmem>> -> memref<1x1x64xi32, #tpu.memory_space<vmem>>
    %dma_start3A_92 = tpu.memref_squeeze %dma_start3A_91 : memref<1x1x64xi32, #tpu.memory_space<vmem>> -> memref<64xi32, #tpu.memory_space<vmem>>
    %dma_start3A_93 = arith.constant 0 : i32
    %dma_start3A_94 = arith.constant 0 : i32
    %dma_start3A_95 = tpu.memref_slice %arg3[%dma_start3A_93, %dma_start3A_94] : memref<100001x128xf32, #tpu.memory_space<hbm>> -> memref<100001x128xf32, #tpu.memory_space<hbm>>
    %dma_start3A_96 = tpu.memref_slice %arg8[%dma_start3A_85] : memref<8x!tpu.dma_semaphore, #tpu.memory_space<semaphore_mem>> -> memref<1x!tpu.dma_semaphore, #tpu.memory_space<semaphore_mem>>
    %dma_start3A_97 = tpu.memref_squeeze %dma_start3A_96 : memref<1x!tpu.dma_semaphore, #tpu.memory_space<semaphore_mem>> -> memref<!tpu.dma_semaphore, #tpu.memory_space<semaphore_mem>>
    tpu.enqueue_indirect_dma source(%dma_start3A_95 : memref<100001x128xf32, #tpu.memory_space<hbm>>) target(%dma_start3A_89 : memref<64x128xf32, #tpu.memory_space<vmem>>) offsets(%dma_start3A_92 : memref<64xi32, #tpu.memory_space<vmem>>) semaphore(%dma_start3A_97 : memref<!tpu.dma_semaphore, #tpu.memory_space<semaphore_mem>>)
    %dma_start3A_98 = arith.constant 0 : i32
    %dma_start3A_99 = arith.constant 6 : i32
    %dma_start3A_100 = arith.constant 6 : i32
    %dma_start3A_101 = arith.constant 6 : i32
    %dma_start3A_102 = arith.constant 0 : i32
    %dma_start3A_103 = arith.constant 0 : i32
    %dma_start3A_104 = tpu.memref_slice %arg7[%dma_start3A_100, %dma_start3A_102, %dma_start3A_103] : memref<8x64x128xf32, #tpu.memory_space<vmem>> -> memref<1x64x128xf32, #tpu.memory_space<vmem>>
    %dma_start3A_105 = tpu.memref_squeeze %dma_start3A_104 : memref<1x64x128xf32, #tpu.memory_space<vmem>> -> memref<64x128xf32, #tpu.memory_space<vmem>>
    %dma_start3A_106 = arith.constant 0 : i32
    %dma_start3A_107 = tpu.memref_slice %arg6[%dma_start3A_98, %dma_start3A_99, %dma_start3A_106] : memref<2x8x64xi32, #tpu.memory_space<vmem>> -> memref<1x1x64xi32, #tpu.memory_space<vmem>>
    %dma_start3A_108 = tpu.memref_squeeze %dma_start3A_107 : memref<1x1x64xi32, #tpu.memory_space<vmem>> -> memref<64xi32, #tpu.memory_space<vmem>>
    %dma_start3A_109 = arith.constant 0 : i32
    %dma_start3A_110 = arith.constant 0 : i32
    %dma_start3A_111 = tpu.memref_slice %arg3[%dma_start3A_109, %dma_start3A_110] : memref<100001x128xf32, #tpu.memory_space<hbm>> -> memref<100001x128xf32, #tpu.memory_space<hbm>>
    %dma_start3A_112 = tpu.memref_slice %arg8[%dma_start3A_101] : memref<8x!tpu.dma_semaphore, #tpu.memory_space<semaphore_mem>> -> memref<1x!tpu.dma_semaphore, #tpu.memory_space<semaphore_mem>>
    %dma_start3A_113 = tpu.memref_squeeze %dma_start3A_112 : memref<1x!tpu.dma_semaphore, #tpu.memory_space<semaphore_mem>> -> memref<!tpu.dma_semaphore, #tpu.memory_space<semaphore_mem>>
    tpu.enqueue_indirect_dma source(%dma_start3A_111 : memref<100001x128xf32, #tpu.memory_space<hbm>>) target(%dma_start3A_105 : memref<64x128xf32, #tpu.memory_space<vmem>>) offsets(%dma_start3A_108 : memref<64xi32, #tpu.memory_space<vmem>>) semaphore(%dma_start3A_113 : memref<!tpu.dma_semaphore, #tpu.memory_space<semaphore_mem>>)
    %dma_start3A_114 = arith.constant 0 : i32
    %dma_start3A_115 = arith.constant 7 : i32
    %dma_start3A_116 = arith.constant 7 : i32
    %dma_start3A_117 = arith.constant 7 : i32
    %dma_start3A_118 = arith.constant 0 : i32
    %dma_start3A_119 = arith.constant 0 : i32
    %dma_start3A_120 = tpu.memref_slice %arg7[%dma_start3A_116, %dma_start3A_118, %dma_start3A_119] : memref<8x64x128xf32, #tpu.memory_space<vmem>> -> memref<1x64x128xf32, #tpu.memory_space<vmem>>
    %dma_start3A_121 = tpu.memref_squeeze %dma_start3A_120 : memref<1x64x128xf32, #tpu.memory_space<vmem>> -> memref<64x128xf32, #tpu.memory_space<vmem>>
    %dma_start3A_122 = arith.constant 0 : i32
    %dma_start3A_123 = tpu.memref_slice %arg6[%dma_start3A_114, %dma_start3A_115, %dma_start3A_122] : memref<2x8x64xi32, #tpu.memory_space<vmem>> -> memref<1x1x64xi32, #tpu.memory_space<vmem>>
    %dma_start3A_124 = tpu.memref_squeeze %dma_start3A_123 : memref<1x1x64xi32, #tpu.memory_space<vmem>> -> memref<64xi32, #tpu.memory_space<vmem>>
    %dma_start3A_125 = arith.constant 0 : i32
    %dma_start3A_126 = arith.constant 0 : i32
    %dma_start3A_127 = tpu.memref_slice %arg3[%dma_start3A_125, %dma_start3A_126] : memref<100001x128xf32, #tpu.memory_space<hbm>> -> memref<100001x128xf32, #tpu.memory_space<hbm>>
    %dma_start3A_128 = tpu.memref_slice %arg8[%dma_start3A_117] : memref<8x!tpu.dma_semaphore, #tpu.memory_space<semaphore_mem>> -> memref<1x!tpu.dma_semaphore, #tpu.memory_space<semaphore_mem>>
    %dma_start3A_129 = tpu.memref_squeeze %dma_start3A_128 : memref<1x!tpu.dma_semaphore, #tpu.memory_space<semaphore_mem>> -> memref<!tpu.dma_semaphore, #tpu.memory_space<semaphore_mem>>
    tpu.enqueue_indirect_dma source(%dma_start3A_127 : memref<100001x128xf32, #tpu.memory_space<hbm>>) target(%dma_start3A_121 : memref<64x128xf32, #tpu.memory_space<vmem>>) offsets(%dma_start3A_124 : memref<64xi32, #tpu.memory_space<vmem>>) semaphore(%dma_start3A_129 : memref<!tpu.dma_semaphore, #tpu.memory_space<semaphore_mem>>)
    %dma_wait3A = arith.constant 0 : i32
    %dma_wait3A_130 = arith.constant 0 : i32
    %dma_wait3A_131 = arith.constant 0 : i32
    %dma_wait3A_132 = arith.constant 0 : i32
    %dma_wait3A_133 = arith.constant 0 : i32
    %dma_wait3A_134 = arith.constant 0 : i32
    %dma_wait3A_135 = tpu.memref_slice %arg7[%dma_wait3A_131, %dma_wait3A_133, %dma_wait3A_134] : memref<8x64x128xf32, #tpu.memory_space<vmem>> -> memref<1x64x128xf32, #tpu.memory_space<vmem>>
    %dma_wait3A_136 = tpu.memref_squeeze %dma_wait3A_135 : memref<1x64x128xf32, #tpu.memory_space<vmem>> -> memref<64x128xf32, #tpu.memory_space<vmem>>
    %dma_wait3A_137 = arith.constant 0 : i32
    %dma_wait3A_138 = tpu.memref_slice %arg6[%dma_wait3A, %dma_wait3A_130, %dma_wait3A_137] : memref<2x8x64xi32, #tpu.memory_space<vmem>> -> memref<1x1x64xi32, #tpu.memory_space<vmem>>
    %dma_wait3A_139 = tpu.memref_squeeze %dma_wait3A_138 : memref<1x1x64xi32, #tpu.memory_space<vmem>> -> memref<64xi32, #tpu.memory_space<vmem>>
    %dma_wait3A_140 = arith.constant 0 : i32
    %dma_wait3A_141 = arith.constant 0 : i32
    %dma_wait3A_142 = tpu.memref_slice %arg3[%dma_wait3A_140, %dma_wait3A_141] : memref<100001x128xf32, #tpu.memory_space<hbm>> -> memref<100001x128xf32, #tpu.memory_space<hbm>>
    %dma_wait3A_143 = tpu.memref_slice %arg8[%dma_wait3A_132] : memref<8x!tpu.dma_semaphore, #tpu.memory_space<semaphore_mem>> -> memref<1x!tpu.dma_semaphore, #tpu.memory_space<semaphore_mem>>
    %dma_wait3A_144 = tpu.memref_squeeze %dma_wait3A_143 : memref<1x!tpu.dma_semaphore, #tpu.memory_space<semaphore_mem>> -> memref<!tpu.dma_semaphore, #tpu.memory_space<semaphore_mem>>
    tpu.wait_indirect_dma semaphore(%dma_wait3A_144 : memref<!tpu.dma_semaphore, #tpu.memory_space<semaphore_mem>>) src(%dma_wait3A_142 : memref<100001x128xf32, #tpu.memory_space<hbm>>) dst(%dma_wait3A_136 : memref<64x128xf32, #tpu.memory_space<vmem>>)
    %dma_start3A_145 = arith.constant 1 : i32
    %dma_start3A_146 = arith.constant 0 : i32
    %dma_start3A_147 = arith.constant 0 : i32
    %dma_start3A_148 = arith.constant 0 : i32
    %dma_start3A_149 = arith.constant 0 : i32
    %dma_start3A_150 = arith.constant 0 : i32
    %dma_start3A_151 = tpu.memref_slice %arg7[%dma_start3A_147, %dma_start3A_149, %dma_start3A_150] : memref<8x64x128xf32, #tpu.memory_space<vmem>> -> memref<1x64x128xf32, #tpu.memory_space<vmem>>
    %dma_start3A_152 = tpu.memref_squeeze %dma_start3A_151 : memref<1x64x128xf32, #tpu.memory_space<vmem>> -> memref<64x128xf32, #tpu.memory_space<vmem>>
    %dma_start3A_153 = arith.constant 0 : i32
    %dma_start3A_154 = tpu.memref_slice %arg6[%dma_start3A_145, %dma_start3A_146, %dma_start3A_153] : memref<2x8x64xi32, #tpu.memory_space<vmem>> -> memref<1x1x64xi32, #tpu.memory_space<vmem>>
    %dma_start3A_155 = tpu.memref_squeeze %dma_start3A_154 : memref<1x1x64xi32, #tpu.memory_space<vmem>> -> memref<64xi32, #tpu.memory_space<vmem>>
    %dma_start3A_156 = arith.constant 0 : i32
    %dma_start3A_157 = arith.constant 0 : i32
    %dma_start3A_158 = tpu.memref_slice %arg4[%dma_start3A_156, %dma_start3A_157] : memref<100001x128xf32, #tpu.memory_space<hbm>> -> memref<100001x128xf32, #tpu.memory_space<hbm>>
    %dma_start3A_159 = tpu.memref_slice %arg8[%dma_start3A_148] : memref<8x!tpu.dma_semaphore, #tpu.memory_space<semaphore_mem>> -> memref<1x!tpu.dma_semaphore, #tpu.memory_space<semaphore_mem>>
    %dma_start3A_160 = tpu.memref_squeeze %dma_start3A_159 : memref<1x!tpu.dma_semaphore, #tpu.memory_space<semaphore_mem>> -> memref<!tpu.dma_semaphore, #tpu.memory_space<semaphore_mem>>
    tpu.enqueue_indirect_dma source(%dma_start3A_158 : memref<100001x128xf32, #tpu.memory_space<hbm>>) target(%dma_start3A_152 : memref<64x128xf32, #tpu.memory_space<vmem>>) offsets(%dma_start3A_155 : memref<64xi32, #tpu.memory_space<vmem>>) semaphore(%dma_start3A_160 : memref<!tpu.dma_semaphore, #tpu.memory_space<semaphore_mem>>) {add = true}
    %dma_wait3A_161 = arith.constant 0 : i32
    %dma_wait3A_162 = arith.constant 1 : i32
    %dma_wait3A_163 = arith.constant 1 : i32
    %dma_wait3A_164 = arith.constant 1 : i32
    %dma_wait3A_165 = arith.constant 0 : i32
    %dma_wait3A_166 = arith.constant 0 : i32
    %dma_wait3A_167 = tpu.memref_slice %arg7[%dma_wait3A_163, %dma_wait3A_165, %dma_wait3A_166] : memref<8x64x128xf32, #tpu.memory_space<vmem>> -> memref<1x64x128xf32, #tpu.memory_space<vmem>>
    %dma_wait3A_168 = tpu.memref_squeeze %dma_wait3A_167 : memref<1x64x128xf32, #tpu.memory_space<vmem>> -> memref<64x128xf32, #tpu.memory_space<vmem>>
    %dma_wait3A_169 = arith.constant 0 : i32
    %dma_wait3A_170 = tpu.memref_slice %arg6[%dma_wait3A_161, %dma_wait3A_162, %dma_wait3A_169] : memref<2x8x64xi32, #tpu.memory_space<vmem>> -> memref<1x1x64xi32, #tpu.memory_space<vmem>>
    %dma_wait3A_171 = tpu.memref_squeeze %dma_wait3A_170 : memref<1x1x64xi32, #tpu.memory_space<vmem>> -> memref<64xi32, #tpu.memory_space<vmem>>
    %dma_wait3A_172 = arith.constant 0 : i32
    %dma_wait3A_173 = arith.constant 0 : i32
    %dma_wait3A_174 = tpu.memref_slice %arg3[%dma_wait3A_172, %dma_wait3A_173] : memref<100001x128xf32, #tpu.memory_space<hbm>> -> memref<100001x128xf32, #tpu.memory_space<hbm>>
    %dma_wait3A_175 = tpu.memref_slice %arg8[%dma_wait3A_164] : memref<8x!tpu.dma_semaphore, #tpu.memory_space<semaphore_mem>> -> memref<1x!tpu.dma_semaphore, #tpu.memory_space<semaphore_mem>>
    %dma_wait3A_176 = tpu.memref_squeeze %dma_wait3A_175 : memref<1x!tpu.dma_semaphore, #tpu.memory_space<semaphore_mem>> -> memref<!tpu.dma_semaphore, #tpu.memory_space<semaphore_mem>>
    tpu.wait_indirect_dma semaphore(%dma_wait3A_176 : memref<!tpu.dma_semaphore, #tpu.memory_space<semaphore_mem>>) src(%dma_wait3A_174 : memref<100001x128xf32, #tpu.memory_space<hbm>>) dst(%dma_wait3A_168 : memref<64x128xf32, #tpu.memory_space<vmem>>)
    %dma_start3A_177 = arith.constant 1 : i32
    %dma_start3A_178 = arith.constant 1 : i32
    %dma_start3A_179 = arith.constant 1 : i32
    %dma_start3A_180 = arith.constant 1 : i32
    %dma_start3A_181 = arith.constant 0 : i32
    %dma_start3A_182 = arith.constant 0 : i32
    %dma_start3A_183 = tpu.memref_slice %arg7[%dma_start3A_179, %dma_start3A_181, %dma_start3A_182] : memref<8x64x128xf32, #tpu.memory_space<vmem>> -> memref<1x64x128xf32, #tpu.memory_space<vmem>>
    %dma_start3A_184 = tpu.memref_squeeze %dma_start3A_183 : memref<1x64x128xf32, #tpu.memory_space<vmem>> -> memref<64x128xf32, #tpu.memory_space<vmem>>
    %dma_start3A_185 = arith.constant 0 : i32
    %dma_start3A_186 = tpu.memref_slice %arg6[%dma_start3A_177, %dma_start3A_178, %dma_start3A_185] : memref<2x8x64xi32, #tpu.memory_space<vmem>> -> memref<1x1x64xi32, #tpu.memory_space<vmem>>
    %dma_start3A_187 = tpu.memref_squeeze %dma_start3A_186 : memref<1x1x64xi32, #tpu.memory_space<vmem>> -> memref<64xi32, #tpu.memory_space<vmem>>
    %dma_start3A_188 = arith.constant 0 : i32
    %dma_start3A_189 = arith.constant 0 : i32
    %dma_start3A_190 = tpu.memref_slice %arg4[%dma_start3A_188, %dma_start3A_189] : memref<100001x128xf32, #tpu.memory_space<hbm>> -> memref<100001x128xf32, #tpu.memory_space<hbm>>
    %dma_start3A_191 = tpu.memref_slice %arg8[%dma_start3A_180] : memref<8x!tpu.dma_semaphore, #tpu.memory_space<semaphore_mem>> -> memref<1x!tpu.dma_semaphore, #tpu.memory_space<semaphore_mem>>
    %dma_start3A_192 = tpu.memref_squeeze %dma_start3A_191 : memref<1x!tpu.dma_semaphore, #tpu.memory_space<semaphore_mem>> -> memref<!tpu.dma_semaphore, #tpu.memory_space<semaphore_mem>>
    tpu.enqueue_indirect_dma source(%dma_start3A_190 : memref<100001x128xf32, #tpu.memory_space<hbm>>) target(%dma_start3A_184 : memref<64x128xf32, #tpu.memory_space<vmem>>) offsets(%dma_start3A_187 : memref<64xi32, #tpu.memory_space<vmem>>) semaphore(%dma_start3A_192 : memref<!tpu.dma_semaphore, #tpu.memory_space<semaphore_mem>>) {add = true}
    %dma_wait3A_193 = arith.constant 0 : i32
    %dma_wait3A_194 = arith.constant 2 : i32
    %dma_wait3A_195 = arith.constant 2 : i32
    %dma_wait3A_196 = arith.constant 2 : i32
    %dma_wait3A_197 = arith.constant 0 : i32
    %dma_wait3A_198 = arith.constant 0 : i32
    %dma_wait3A_199 = tpu.memref_slice %arg7[%dma_wait3A_195, %dma_wait3A_197, %dma_wait3A_198] : memref<8x64x128xf32, #tpu.memory_space<vmem>> -> memref<1x64x128xf32, #tpu.memory_space<vmem>>
    %dma_wait3A_200 = tpu.memref_squeeze %dma_wait3A_199 : memref<1x64x128xf32, #tpu.memory_space<vmem>> -> memref<64x128xf32, #tpu.memory_space<vmem>>
    %dma_wait3A_201 = arith.constant 0 : i32
    %dma_wait3A_202 = tpu.memref_slice %arg6[%dma_wait3A_193, %dma_wait3A_194, %dma_wait3A_201] : memref<2x8x64xi32, #tpu.memory_space<vmem>> -> memref<1x1x64xi32, #tpu.memory_space<vmem>>
    %dma_wait3A_203 = tpu.memref_squeeze %dma_wait3A_202 : memref<1x1x64xi32, #tpu.memory_space<vmem>> -> memref<64xi32, #tpu.memory_space<vmem>>
    %dma_wait3A_204 = arith.constant 0 : i32
    %dma_wait3A_205 = arith.constant 0 : i32
    %dma_wait3A_206 = tpu.memref_slice %arg3[%dma_wait3A_204, %dma_wait3A_205] : memref<100001x128xf32, #tpu.memory_space<hbm>> -> memref<100001x128xf32, #tpu.memory_space<hbm>>
    %dma_wait3A_207 = tpu.memref_slice %arg8[%dma_wait3A_196] : memref<8x!tpu.dma_semaphore, #tpu.memory_space<semaphore_mem>> -> memref<1x!tpu.dma_semaphore, #tpu.memory_space<semaphore_mem>>
    %dma_wait3A_208 = tpu.memref_squeeze %dma_wait3A_207 : memref<1x!tpu.dma_semaphore, #tpu.memory_space<semaphore_mem>> -> memref<!tpu.dma_semaphore, #tpu.memory_space<semaphore_mem>>
    tpu.wait_indirect_dma semaphore(%dma_wait3A_208 : memref<!tpu.dma_semaphore, #tpu.memory_space<semaphore_mem>>) src(%dma_wait3A_206 : memref<100001x128xf32, #tpu.memory_space<hbm>>) dst(%dma_wait3A_200 : memref<64x128xf32, #tpu.memory_space<vmem>>)
    %dma_start3A_209 = arith.constant 1 : i32
    %dma_start3A_210 = arith.constant 2 : i32
    %dma_start3A_211 = arith.constant 2 : i32
    %dma_start3A_212 = arith.constant 2 : i32
    %dma_start3A_213 = arith.constant 0 : i32
    %dma_start3A_214 = arith.constant 0 : i32
    %dma_start3A_215 = tpu.memref_slice %arg7[%dma_start3A_211, %dma_start3A_213, %dma_start3A_214] : memref<8x64x128xf32, #tpu.memory_space<vmem>> -> memref<1x64x128xf32, #tpu.memory_space<vmem>>
    %dma_start3A_216 = tpu.memref_squeeze %dma_start3A_215 : memref<1x64x128xf32, #tpu.memory_space<vmem>> -> memref<64x128xf32, #tpu.memory_space<vmem>>
    %dma_start3A_217 = arith.constant 0 : i32
    %dma_start3A_218 = tpu.memref_slice %arg6[%dma_start3A_209, %dma_start3A_210, %dma_start3A_217] : memref<2x8x64xi32, #tpu.memory_space<vmem>> -> memref<1x1x64xi32, #tpu.memory_space<vmem>>
    %dma_start3A_219 = tpu.memref_squeeze %dma_start3A_218 : memref<1x1x64xi32, #tpu.memory_space<vmem>> -> memref<64xi32, #tpu.memory_space<vmem>>
    %dma_start3A_220 = arith.constant 0 : i32
    %dma_start3A_221 = arith.constant 0 : i32
    %dma_start3A_222 = tpu.memref_slice %arg4[%dma_start3A_220, %dma_start3A_221] : memref<100001x128xf32, #tpu.memory_space<hbm>> -> memref<100001x128xf32, #tpu.memory_space<hbm>>
    %dma_start3A_223 = tpu.memref_slice %arg8[%dma_start3A_212] : memref<8x!tpu.dma_semaphore, #tpu.memory_space<semaphore_mem>> -> memref<1x!tpu.dma_semaphore, #tpu.memory_space<semaphore_mem>>
    %dma_start3A_224 = tpu.memref_squeeze %dma_start3A_223 : memref<1x!tpu.dma_semaphore, #tpu.memory_space<semaphore_mem>> -> memref<!tpu.dma_semaphore, #tpu.memory_space<semaphore_mem>>
    tpu.enqueue_indirect_dma source(%dma_start3A_222 : memref<100001x128xf32, #tpu.memory_space<hbm>>) target(%dma_start3A_216 : memref<64x128xf32, #tpu.memory_space<vmem>>) offsets(%dma_start3A_219 : memref<64xi32, #tpu.memory_space<vmem>>) semaphore(%dma_start3A_224 : memref<!tpu.dma_semaphore, #tpu.memory_space<semaphore_mem>>) {add = true}
    %dma_wait3A_225 = arith.constant 0 : i32
    %dma_wait3A_226 = arith.constant 3 : i32
    %dma_wait3A_227 = arith.constant 3 : i32
    %dma_wait3A_228 = arith.constant 3 : i32
    %dma_wait3A_229 = arith.constant 0 : i32
    %dma_wait3A_230 = arith.constant 0 : i32
    %dma_wait3A_231 = tpu.memref_slice %arg7[%dma_wait3A_227, %dma_wait3A_229, %dma_wait3A_230] : memref<8x64x128xf32, #tpu.memory_space<vmem>> -> memref<1x64x128xf32, #tpu.memory_space<vmem>>
    %dma_wait3A_232 = tpu.memref_squeeze %dma_wait3A_231 : memref<1x64x128xf32, #tpu.memory_space<vmem>> -> memref<64x128xf32, #tpu.memory_space<vmem>>
    %dma_wait3A_233 = arith.constant 0 : i32
    %dma_wait3A_234 = tpu.memref_slice %arg6[%dma_wait3A_225, %dma_wait3A_226, %dma_wait3A_233] : memref<2x8x64xi32, #tpu.memory_space<vmem>> -> memref<1x1x64xi32, #tpu.memory_space<vmem>>
    %dma_wait3A_235 = tpu.memref_squeeze %dma_wait3A_234 : memref<1x1x64xi32, #tpu.memory_space<vmem>> -> memref<64xi32, #tpu.memory_space<vmem>>
    %dma_wait3A_236 = arith.constant 0 : i32
    %dma_wait3A_237 = arith.constant 0 : i32
    %dma_wait3A_238 = tpu.memref_slice %arg3[%dma_wait3A_236, %dma_wait3A_237] : memref<100001x128xf32, #tpu.memory_space<hbm>> -> memref<100001x128xf32, #tpu.memory_space<hbm>>
    %dma_wait3A_239 = tpu.memref_slice %arg8[%dma_wait3A_228] : memref<8x!tpu.dma_semaphore, #tpu.memory_space<semaphore_mem>> -> memref<1x!tpu.dma_semaphore, #tpu.memory_space<semaphore_mem>>
    %dma_wait3A_240 = tpu.memref_squeeze %dma_wait3A_239 : memref<1x!tpu.dma_semaphore, #tpu.memory_space<semaphore_mem>> -> memref<!tpu.dma_semaphore, #tpu.memory_space<semaphore_mem>>
    tpu.wait_indirect_dma semaphore(%dma_wait3A_240 : memref<!tpu.dma_semaphore, #tpu.memory_space<semaphore_mem>>) src(%dma_wait3A_238 : memref<100001x128xf32, #tpu.memory_space<hbm>>) dst(%dma_wait3A_232 : memref<64x128xf32, #tpu.memory_space<vmem>>)
    %dma_start3A_241 = arith.constant 1 : i32
    %dma_start3A_242 = arith.constant 3 : i32
    %dma_start3A_243 = arith.constant 3 : i32
    %dma_start3A_244 = arith.constant 3 : i32
    %dma_start3A_245 = arith.constant 0 : i32
    %dma_start3A_246 = arith.constant 0 : i32
    %dma_start3A_247 = tpu.memref_slice %arg7[%dma_start3A_243, %dma_start3A_245, %dma_start3A_246] : memref<8x64x128xf32, #tpu.memory_space<vmem>> -> memref<1x64x128xf32, #tpu.memory_space<vmem>>
    %dma_start3A_248 = tpu.memref_squeeze %dma_start3A_247 : memref<1x64x128xf32, #tpu.memory_space<vmem>> -> memref<64x128xf32, #tpu.memory_space<vmem>>
    %dma_start3A_249 = arith.constant 0 : i32
    %dma_start3A_250 = tpu.memref_slice %arg6[%dma_start3A_241, %dma_start3A_242, %dma_start3A_249] : memref<2x8x64xi32, #tpu.memory_space<vmem>> -> memref<1x1x64xi32, #tpu.memory_space<vmem>>
    %dma_start3A_251 = tpu.memref_squeeze %dma_start3A_250 : memref<1x1x64xi32, #tpu.memory_space<vmem>> -> memref<64xi32, #tpu.memory_space<vmem>>
    %dma_start3A_252 = arith.constant 0 : i32
    %dma_start3A_253 = arith.constant 0 : i32
    %dma_start3A_254 = tpu.memref_slice %arg4[%dma_start3A_252, %dma_start3A_253] : memref<100001x128xf32, #tpu.memory_space<hbm>> -> memref<100001x128xf32, #tpu.memory_space<hbm>>
    %dma_start3A_255 = tpu.memref_slice %arg8[%dma_start3A_244] : memref<8x!tpu.dma_semaphore, #tpu.memory_space<semaphore_mem>> -> memref<1x!tpu.dma_semaphore, #tpu.memory_space<semaphore_mem>>
    %dma_start3A_256 = tpu.memref_squeeze %dma_start3A_255 : memref<1x!tpu.dma_semaphore, #tpu.memory_space<semaphore_mem>> -> memref<!tpu.dma_semaphore, #tpu.memory_space<semaphore_mem>>
    tpu.enqueue_indirect_dma source(%dma_start3A_254 : memref<100001x128xf32, #tpu.memory_space<hbm>>) target(%dma_start3A_248 : memref<64x128xf32, #tpu.memory_space<vmem>>) offsets(%dma_start3A_251 : memref<64xi32, #tpu.memory_space<vmem>>) semaphore(%dma_start3A_256 : memref<!tpu.dma_semaphore, #tpu.memory_space<semaphore_mem>>) {add = true}
    %dma_wait3A_257 = arith.constant 0 : i32
    %dma_wait3A_258 = arith.constant 4 : i32
    %dma_wait3A_259 = arith.constant 4 : i32
    %dma_wait3A_260 = arith.constant 4 : i32
    %dma_wait3A_261 = arith.constant 0 : i32
    %dma_wait3A_262 = arith.constant 0 : i32
    %dma_wait3A_263 = tpu.memref_slice %arg7[%dma_wait3A_259, %dma_wait3A_261, %dma_wait3A_262] : memref<8x64x128xf32, #tpu.memory_space<vmem>> -> memref<1x64x128xf32, #tpu.memory_space<vmem>>
    %dma_wait3A_264 = tpu.memref_squeeze %dma_wait3A_263 : memref<1x64x128xf32, #tpu.memory_space<vmem>> -> memref<64x128xf32, #tpu.memory_space<vmem>>
    %dma_wait3A_265 = arith.constant 0 : i32
    %dma_wait3A_266 = tpu.memref_slice %arg6[%dma_wait3A_257, %dma_wait3A_258, %dma_wait3A_265] : memref<2x8x64xi32, #tpu.memory_space<vmem>> -> memref<1x1x64xi32, #tpu.memory_space<vmem>>
    %dma_wait3A_267 = tpu.memref_squeeze %dma_wait3A_266 : memref<1x1x64xi32, #tpu.memory_space<vmem>> -> memref<64xi32, #tpu.memory_space<vmem>>
    %dma_wait3A_268 = arith.constant 0 : i32
    %dma_wait3A_269 = arith.constant 0 : i32
    %dma_wait3A_270 = tpu.memref_slice %arg3[%dma_wait3A_268, %dma_wait3A_269] : memref<100001x128xf32, #tpu.memory_space<hbm>> -> memref<100001x128xf32, #tpu.memory_space<hbm>>
    %dma_wait3A_271 = tpu.memref_slice %arg8[%dma_wait3A_260] : memref<8x!tpu.dma_semaphore, #tpu.memory_space<semaphore_mem>> -> memref<1x!tpu.dma_semaphore, #tpu.memory_space<semaphore_mem>>
    %dma_wait3A_272 = tpu.memref_squeeze %dma_wait3A_271 : memref<1x!tpu.dma_semaphore, #tpu.memory_space<semaphore_mem>> -> memref<!tpu.dma_semaphore, #tpu.memory_space<semaphore_mem>>
    tpu.wait_indirect_dma semaphore(%dma_wait3A_272 : memref<!tpu.dma_semaphore, #tpu.memory_space<semaphore_mem>>) src(%dma_wait3A_270 : memref<100001x128xf32, #tpu.memory_space<hbm>>) dst(%dma_wait3A_264 : memref<64x128xf32, #tpu.memory_space<vmem>>)
    %dma_start3A_273 = arith.constant 1 : i32
    %dma_start3A_274 = arith.constant 4 : i32
    %dma_start3A_275 = arith.constant 4 : i32
    %dma_start3A_276 = arith.constant 4 : i32
    %dma_start3A_277 = arith.constant 0 : i32
    %dma_start3A_278 = arith.constant 0 : i32
    %dma_start3A_279 = tpu.memref_slice %arg7[%dma_start3A_275, %dma_start3A_277, %dma_start3A_278] : memref<8x64x128xf32, #tpu.memory_space<vmem>> -> memref<1x64x128xf32, #tpu.memory_space<vmem>>
    %dma_start3A_280 = tpu.memref_squeeze %dma_start3A_279 : memref<1x64x128xf32, #tpu.memory_space<vmem>> -> memref<64x128xf32, #tpu.memory_space<vmem>>
    %dma_start3A_281 = arith.constant 0 : i32
    %dma_start3A_282 = tpu.memref_slice %arg6[%dma_start3A_273, %dma_start3A_274, %dma_start3A_281] : memref<2x8x64xi32, #tpu.memory_space<vmem>> -> memref<1x1x64xi32, #tpu.memory_space<vmem>>
    %dma_start3A_283 = tpu.memref_squeeze %dma_start3A_282 : memref<1x1x64xi32, #tpu.memory_space<vmem>> -> memref<64xi32, #tpu.memory_space<vmem>>
    %dma_start3A_284 = arith.constant 0 : i32
    %dma_start3A_285 = arith.constant 0 : i32
    %dma_start3A_286 = tpu.memref_slice %arg4[%dma_start3A_284, %dma_start3A_285] : memref<100001x128xf32, #tpu.memory_space<hbm>> -> memref<100001x128xf32, #tpu.memory_space<hbm>>
    %dma_start3A_287 = tpu.memref_slice %arg8[%dma_start3A_276] : memref<8x!tpu.dma_semaphore, #tpu.memory_space<semaphore_mem>> -> memref<1x!tpu.dma_semaphore, #tpu.memory_space<semaphore_mem>>
    %dma_start3A_288 = tpu.memref_squeeze %dma_start3A_287 : memref<1x!tpu.dma_semaphore, #tpu.memory_space<semaphore_mem>> -> memref<!tpu.dma_semaphore, #tpu.memory_space<semaphore_mem>>
    tpu.enqueue_indirect_dma source(%dma_start3A_286 : memref<100001x128xf32, #tpu.memory_space<hbm>>) target(%dma_start3A_280 : memref<64x128xf32, #tpu.memory_space<vmem>>) offsets(%dma_start3A_283 : memref<64xi32, #tpu.memory_space<vmem>>) semaphore(%dma_start3A_288 : memref<!tpu.dma_semaphore, #tpu.memory_space<semaphore_mem>>) {add = true}
    %dma_wait3A_289 = arith.constant 0 : i32
    %dma_wait3A_290 = arith.constant 5 : i32
    %dma_wait3A_291 = arith.constant 5 : i32
    %dma_wait3A_292 = arith.constant 5 : i32
    %dma_wait3A_293 = arith.constant 0 : i32
    %dma_wait3A_294 = arith.constant 0 : i32
    %dma_wait3A_295 = tpu.memref_slice %arg7[%dma_wait3A_291, %dma_wait3A_293, %dma_wait3A_294] : memref<8x64x128xf32, #tpu.memory_space<vmem>> -> memref<1x64x128xf32, #tpu.memory_space<vmem>>
    %dma_wait3A_296 = tpu.memref_squeeze %dma_wait3A_295 : memref<1x64x128xf32, #tpu.memory_space<vmem>> -> memref<64x128xf32, #tpu.memory_space<vmem>>
    %dma_wait3A_297 = arith.constant 0 : i32
    %dma_wait3A_298 = tpu.memref_slice %arg6[%dma_wait3A_289, %dma_wait3A_290, %dma_wait3A_297] : memref<2x8x64xi32, #tpu.memory_space<vmem>> -> memref<1x1x64xi32, #tpu.memory_space<vmem>>
    %dma_wait3A_299 = tpu.memref_squeeze %dma_wait3A_298 : memref<1x1x64xi32, #tpu.memory_space<vmem>> -> memref<64xi32, #tpu.memory_space<vmem>>
    %dma_wait3A_300 = arith.constant 0 : i32
    %dma_wait3A_301 = arith.constant 0 : i32
    %dma_wait3A_302 = tpu.memref_slice %arg3[%dma_wait3A_300, %dma_wait3A_301] : memref<100001x128xf32, #tpu.memory_space<hbm>> -> memref<100001x128xf32, #tpu.memory_space<hbm>>
    %dma_wait3A_303 = tpu.memref_slice %arg8[%dma_wait3A_292] : memref<8x!tpu.dma_semaphore, #tpu.memory_space<semaphore_mem>> -> memref<1x!tpu.dma_semaphore, #tpu.memory_space<semaphore_mem>>
    %dma_wait3A_304 = tpu.memref_squeeze %dma_wait3A_303 : memref<1x!tpu.dma_semaphore, #tpu.memory_space<semaphore_mem>> -> memref<!tpu.dma_semaphore, #tpu.memory_space<semaphore_mem>>
    tpu.wait_indirect_dma semaphore(%dma_wait3A_304 : memref<!tpu.dma_semaphore, #tpu.memory_space<semaphore_mem>>) src(%dma_wait3A_302 : memref<100001x128xf32, #tpu.memory_space<hbm>>) dst(%dma_wait3A_296 : memref<64x128xf32, #tpu.memory_space<vmem>>)
    %dma_start3A_305 = arith.constant 1 : i32
    %dma_start3A_306 = arith.constant 5 : i32
    %dma_start3A_307 = arith.constant 5 : i32
    %dma_start3A_308 = arith.constant 5 : i32
    %dma_start3A_309 = arith.constant 0 : i32
    %dma_start3A_310 = arith.constant 0 : i32
    %dma_start3A_311 = tpu.memref_slice %arg7[%dma_start3A_307, %dma_start3A_309, %dma_start3A_310] : memref<8x64x128xf32, #tpu.memory_space<vmem>> -> memref<1x64x128xf32, #tpu.memory_space<vmem>>
    %dma_start3A_312 = tpu.memref_squeeze %dma_start3A_311 : memref<1x64x128xf32, #tpu.memory_space<vmem>> -> memref<64x128xf32, #tpu.memory_space<vmem>>
    %dma_start3A_313 = arith.constant 0 : i32
    %dma_start3A_314 = tpu.memref_slice %arg6[%dma_start3A_305, %dma_start3A_306, %dma_start3A_313] : memref<2x8x64xi32, #tpu.memory_space<vmem>> -> memref<1x1x64xi32, #tpu.memory_space<vmem>>
    %dma_start3A_315 = tpu.memref_squeeze %dma_start3A_314 : memref<1x1x64xi32, #tpu.memory_space<vmem>> -> memref<64xi32, #tpu.memory_space<vmem>>
    %dma_start3A_316 = arith.constant 0 : i32
    %dma_start3A_317 = arith.constant 0 : i32
    %dma_start3A_318 = tpu.memref_slice %arg4[%dma_start3A_316, %dma_start3A_317] : memref<100001x128xf32, #tpu.memory_space<hbm>> -> memref<100001x128xf32, #tpu.memory_space<hbm>>
    %dma_start3A_319 = tpu.memref_slice %arg8[%dma_start3A_308] : memref<8x!tpu.dma_semaphore, #tpu.memory_space<semaphore_mem>> -> memref<1x!tpu.dma_semaphore, #tpu.memory_space<semaphore_mem>>
    %dma_start3A_320 = tpu.memref_squeeze %dma_start3A_319 : memref<1x!tpu.dma_semaphore, #tpu.memory_space<semaphore_mem>> -> memref<!tpu.dma_semaphore, #tpu.memory_space<semaphore_mem>>
    tpu.enqueue_indirect_dma source(%dma_start3A_318 : memref<100001x128xf32, #tpu.memory_space<hbm>>) target(%dma_start3A_312 : memref<64x128xf32, #tpu.memory_space<vmem>>) offsets(%dma_start3A_315 : memref<64xi32, #tpu.memory_space<vmem>>) semaphore(%dma_start3A_320 : memref<!tpu.dma_semaphore, #tpu.memory_space<semaphore_mem>>) {add = true}
    %dma_wait3A_321 = arith.constant 0 : i32
    %dma_wait3A_322 = arith.constant 6 : i32
    %dma_wait3A_323 = arith.constant 6 : i32
    %dma_wait3A_324 = arith.constant 6 : i32
    %dma_wait3A_325 = arith.constant 0 : i32
    %dma_wait3A_326 = arith.constant 0 : i32
    %dma_wait3A_327 = tpu.memref_slice %arg7[%dma_wait3A_323, %dma_wait3A_325, %dma_wait3A_326] : memref<8x64x128xf32, #tpu.memory_space<vmem>> -> memref<1x64x128xf32, #tpu.memory_space<vmem>>
    %dma_wait3A_328 = tpu.memref_squeeze %dma_wait3A_327 : memref<1x64x128xf32, #tpu.memory_space<vmem>> -> memref<64x128xf32, #tpu.memory_space<vmem>>
    %dma_wait3A_329 = arith.constant 0 : i32
    %dma_wait3A_330 = tpu.memref_slice %arg6[%dma_wait3A_321, %dma_wait3A_322, %dma_wait3A_329] : memref<2x8x64xi32, #tpu.memory_space<vmem>> -> memref<1x1x64xi32, #tpu.memory_space<vmem>>
    %dma_wait3A_331 = tpu.memref_squeeze %dma_wait3A_330 : memref<1x1x64xi32, #tpu.memory_space<vmem>> -> memref<64xi32, #tpu.memory_space<vmem>>
    %dma_wait3A_332 = arith.constant 0 : i32
    %dma_wait3A_333 = arith.constant 0 : i32
    %dma_wait3A_334 = tpu.memref_slice %arg3[%dma_wait3A_332, %dma_wait3A_333] : memref<100001x128xf32, #tpu.memory_space<hbm>> -> memref<100001x128xf32, #tpu.memory_space<hbm>>
    %dma_wait3A_335 = tpu.memref_slice %arg8[%dma_wait3A_324] : memref<8x!tpu.dma_semaphore, #tpu.memory_space<semaphore_mem>> -> memref<1x!tpu.dma_semaphore, #tpu.memory_space<semaphore_mem>>
    %dma_wait3A_336 = tpu.memref_squeeze %dma_wait3A_335 : memref<1x!tpu.dma_semaphore, #tpu.memory_space<semaphore_mem>> -> memref<!tpu.dma_semaphore, #tpu.memory_space<semaphore_mem>>
    tpu.wait_indirect_dma semaphore(%dma_wait3A_336 : memref<!tpu.dma_semaphore, #tpu.memory_space<semaphore_mem>>) src(%dma_wait3A_334 : memref<100001x128xf32, #tpu.memory_space<hbm>>) dst(%dma_wait3A_328 : memref<64x128xf32, #tpu.memory_space<vmem>>)
    %dma_start3A_337 = arith.constant 1 : i32
    %dma_start3A_338 = arith.constant 6 : i32
    %dma_start3A_339 = arith.constant 6 : i32
    %dma_start3A_340 = arith.constant 6 : i32
    %dma_start3A_341 = arith.constant 0 : i32
    %dma_start3A_342 = arith.constant 0 : i32
    %dma_start3A_343 = tpu.memref_slice %arg7[%dma_start3A_339, %dma_start3A_341, %dma_start3A_342] : memref<8x64x128xf32, #tpu.memory_space<vmem>> -> memref<1x64x128xf32, #tpu.memory_space<vmem>>
    %dma_start3A_344 = tpu.memref_squeeze %dma_start3A_343 : memref<1x64x128xf32, #tpu.memory_space<vmem>> -> memref<64x128xf32, #tpu.memory_space<vmem>>
    %dma_start3A_345 = arith.constant 0 : i32
    %dma_start3A_346 = tpu.memref_slice %arg6[%dma_start3A_337, %dma_start3A_338, %dma_start3A_345] : memref<2x8x64xi32, #tpu.memory_space<vmem>> -> memref<1x1x64xi32, #tpu.memory_space<vmem>>
    %dma_start3A_347 = tpu.memref_squeeze %dma_start3A_346 : memref<1x1x64xi32, #tpu.memory_space<vmem>> -> memref<64xi32, #tpu.memory_space<vmem>>
    %dma_start3A_348 = arith.constant 0 : i32
    %dma_start3A_349 = arith.constant 0 : i32
    %dma_start3A_350 = tpu.memref_slice %arg4[%dma_start3A_348, %dma_start3A_349] : memref<100001x128xf32, #tpu.memory_space<hbm>> -> memref<100001x128xf32, #tpu.memory_space<hbm>>
    %dma_start3A_351 = tpu.memref_slice %arg8[%dma_start3A_340] : memref<8x!tpu.dma_semaphore, #tpu.memory_space<semaphore_mem>> -> memref<1x!tpu.dma_semaphore, #tpu.memory_space<semaphore_mem>>
    %dma_start3A_352 = tpu.memref_squeeze %dma_start3A_351 : memref<1x!tpu.dma_semaphore, #tpu.memory_space<semaphore_mem>> -> memref<!tpu.dma_semaphore, #tpu.memory_space<semaphore_mem>>
    tpu.enqueue_indirect_dma source(%dma_start3A_350 : memref<100001x128xf32, #tpu.memory_space<hbm>>) target(%dma_start3A_344 : memref<64x128xf32, #tpu.memory_space<vmem>>) offsets(%dma_start3A_347 : memref<64xi32, #tpu.memory_space<vmem>>) semaphore(%dma_start3A_352 : memref<!tpu.dma_semaphore, #tpu.memory_space<semaphore_mem>>) {add = true}
    %dma_wait3A_353 = arith.constant 0 : i32
    %dma_wait3A_354 = arith.constant 7 : i32
    %dma_wait3A_355 = arith.constant 7 : i32
    %dma_wait3A_356 = arith.constant 7 : i32
    %dma_wait3A_357 = arith.constant 0 : i32
    %dma_wait3A_358 = arith.constant 0 : i32
    %dma_wait3A_359 = tpu.memref_slice %arg7[%dma_wait3A_355, %dma_wait3A_357, %dma_wait3A_358] : memref<8x64x128xf32, #tpu.memory_space<vmem>> -> memref<1x64x128xf32, #tpu.memory_space<vmem>>
    %dma_wait3A_360 = tpu.memref_squeeze %dma_wait3A_359 : memref<1x64x128xf32, #tpu.memory_space<vmem>> -> memref<64x128xf32, #tpu.memory_space<vmem>>
    %dma_wait3A_361 = arith.constant 0 : i32
    %dma_wait3A_362 = tpu.memref_slice %arg6[%dma_wait3A_353, %dma_wait3A_354, %dma_wait3A_361] : memref<2x8x64xi32, #tpu.memory_space<vmem>> -> memref<1x1x64xi32, #tpu.memory_space<vmem>>
    %dma_wait3A_363 = tpu.memref_squeeze %dma_wait3A_362 : memref<1x1x64xi32, #tpu.memory_space<vmem>> -> memref<64xi32, #tpu.memory_space<vmem>>
    %dma_wait3A_364 = arith.constant 0 : i32
    %dma_wait3A_365 = arith.constant 0 : i32
    %dma_wait3A_366 = tpu.memref_slice %arg3[%dma_wait3A_364, %dma_wait3A_365] : memref<100001x128xf32, #tpu.memory_space<hbm>> -> memref<100001x128xf32, #tpu.memory_space<hbm>>
    %dma_wait3A_367 = tpu.memref_slice %arg8[%dma_wait3A_356] : memref<8x!tpu.dma_semaphore, #tpu.memory_space<semaphore_mem>> -> memref<1x!tpu.dma_semaphore, #tpu.memory_space<semaphore_mem>>
    %dma_wait3A_368 = tpu.memref_squeeze %dma_wait3A_367 : memref<1x!tpu.dma_semaphore, #tpu.memory_space<semaphore_mem>> -> memref<!tpu.dma_semaphore, #tpu.memory_space<semaphore_mem>>
    tpu.wait_indirect_dma semaphore(%dma_wait3A_368 : memref<!tpu.dma_semaphore, #tpu.memory_space<semaphore_mem>>) src(%dma_wait3A_366 : memref<100001x128xf32, #tpu.memory_space<hbm>>) dst(%dma_wait3A_360 : memref<64x128xf32, #tpu.memory_space<vmem>>)
    %dma_start3A_369 = arith.constant 1 : i32
    %dma_start3A_370 = arith.constant 7 : i32
    %dma_start3A_371 = arith.constant 7 : i32
    %dma_start3A_372 = arith.constant 7 : i32
    %dma_start3A_373 = arith.constant 0 : i32
    %dma_start3A_374 = arith.constant 0 : i32
    %dma_start3A_375 = tpu.memref_slice %arg7[%dma_start3A_371, %dma_start3A_373, %dma_start3A_374] : memref<8x64x128xf32, #tpu.memory_space<vmem>> -> memref<1x64x128xf32, #tpu.memory_space<vmem>>
    %dma_start3A_376 = tpu.memref_squeeze %dma_start3A_375 : memref<1x64x128xf32, #tpu.memory_space<vmem>> -> memref<64x128xf32, #tpu.memory_space<vmem>>
    %dma_start3A_377 = arith.constant 0 : i32
    %dma_start3A_378 = tpu.memref_slice %arg6[%dma_start3A_369, %dma_start3A_370, %dma_start3A_377] : memref<2x8x64xi32, #tpu.memory_space<vmem>> -> memref<1x1x64xi32, #tpu.memory_space<vmem>>
    %dma_start3A_379 = tpu.memref_squeeze %dma_start3A_378 : memref<1x1x64xi32, #tpu.memory_space<vmem>> -> memref<64xi32, #tpu.memory_space<vmem>>
    %dma_start3A_380 = arith.constant 0 : i32
    %dma_start3A_381 = arith.constant 0 : i32
    %dma_start3A_382 = tpu.memref_slice %arg4[%dma_start3A_380, %dma_start3A_381] : memref<100001x128xf32, #tpu.memory_space<hbm>> -> memref<100001x128xf32, #tpu.memory_space<hbm>>
    %dma_start3A_383 = tpu.memref_slice %arg8[%dma_start3A_372] : memref<8x!tpu.dma_semaphore, #tpu.memory_space<semaphore_mem>> -> memref<1x!tpu.dma_semaphore, #tpu.memory_space<semaphore_mem>>
    %dma_start3A_384 = tpu.memref_squeeze %dma_start3A_383 : memref<1x!tpu.dma_semaphore, #tpu.memory_space<semaphore_mem>> -> memref<!tpu.dma_semaphore, #tpu.memory_space<semaphore_mem>>
    tpu.enqueue_indirect_dma source(%dma_start3A_382 : memref<100001x128xf32, #tpu.memory_space<hbm>>) target(%dma_start3A_376 : memref<64x128xf32, #tpu.memory_space<vmem>>) offsets(%dma_start3A_379 : memref<64xi32, #tpu.memory_space<vmem>>) semaphore(%dma_start3A_384 : memref<!tpu.dma_semaphore, #tpu.memory_space<semaphore_mem>>) {add = true}
    %dma_wait3A_385 = arith.constant 1 : i32
    %dma_wait3A_386 = arith.constant 0 : i32
    %dma_wait3A_387 = arith.constant 0 : i32
    %dma_wait3A_388 = arith.constant 0 : i32
    %dma_wait3A_389 = arith.constant 0 : i32
    %dma_wait3A_390 = arith.constant 0 : i32
    %dma_wait3A_391 = tpu.memref_slice %arg7[%dma_wait3A_387, %dma_wait3A_389, %dma_wait3A_390] : memref<8x64x128xf32, #tpu.memory_space<vmem>> -> memref<1x64x128xf32, #tpu.memory_space<vmem>>
    %dma_wait3A_392 = tpu.memref_squeeze %dma_wait3A_391 : memref<1x64x128xf32, #tpu.memory_space<vmem>> -> memref<64x128xf32, #tpu.memory_space<vmem>>
    %dma_wait3A_393 = arith.constant 0 : i32
    %dma_wait3A_394 = tpu.memref_slice %arg6[%dma_wait3A_385, %dma_wait3A_386, %dma_wait3A_393] : memref<2x8x64xi32, #tpu.memory_space<vmem>> -> memref<1x1x64xi32, #tpu.memory_space<vmem>>
    %dma_wait3A_395 = tpu.memref_squeeze %dma_wait3A_394 : memref<1x1x64xi32, #tpu.memory_space<vmem>> -> memref<64xi32, #tpu.memory_space<vmem>>
    %dma_wait3A_396 = arith.constant 0 : i32
    %dma_wait3A_397 = arith.constant 0 : i32
    %dma_wait3A_398 = tpu.memref_slice %arg4[%dma_wait3A_396, %dma_wait3A_397] : memref<100001x128xf32, #tpu.memory_space<hbm>> -> memref<100001x128xf32, #tpu.memory_space<hbm>>
    %dma_wait3A_399 = tpu.memref_slice %arg8[%dma_wait3A_388] : memref<8x!tpu.dma_semaphore, #tpu.memory_space<semaphore_mem>> -> memref<1x!tpu.dma_semaphore, #tpu.memory_space<semaphore_mem>>
    %dma_wait3A_400 = tpu.memref_squeeze %dma_wait3A_399 : memref<1x!tpu.dma_semaphore, #tpu.memory_space<semaphore_mem>> -> memref<!tpu.dma_semaphore, #tpu.memory_space<semaphore_mem>>
    tpu.wait_indirect_dma semaphore(%dma_wait3A_400 : memref<!tpu.dma_semaphore, #tpu.memory_space<semaphore_mem>>) src(%dma_wait3A_398 : memref<100001x128xf32, #tpu.memory_space<hbm>>) dst(%dma_wait3A_392 : memref<64x128xf32, #tpu.memory_space<vmem>>)
    %add3A_401 = arith.constant 0 : i32
    %add3A_402 = arith.addi %mul3A_2, %add3A_401 : i32
    %dma_start3A_403 = arith.constant 0 : i32
    %dma_start3A_404 = arith.constant 0 : i32
    %dma_start3A_405 = arith.constant 0 : i32
    %dma_start3A_406 = arith.constant 0 : i32
    %dma_start3A_407 = tpu.memref_slice %arg7[%dma_start3A_403, %dma_start3A_405, %dma_start3A_406] : memref<8x64x128xf32, #tpu.memory_space<vmem>> -> memref<1x64x128xf32, #tpu.memory_space<vmem>>
    %dma_start3A_408 = tpu.memref_squeeze %dma_start3A_407 : memref<1x64x128xf32, #tpu.memory_space<vmem>> -> memref<64x128xf32, #tpu.memory_space<vmem>>
    %dma_start3A_409 = arith.constant 0 : i32
    %dma_start3A_410 = tpu.memref_slice %arg5[%add3A_402, %dma_start3A_409] : memref<16384x128xf32, #tpu.memory_space<hbm>> -> memref<64x128xf32, #tpu.memory_space<hbm>>
    %dma_start3A_411 = tpu.memref_slice %arg9[%dma_start3A_404] : memref<8x!tpu.dma_semaphore, #tpu.memory_space<semaphore_mem>> -> memref<1x!tpu.dma_semaphore, #tpu.memory_space<semaphore_mem>>
    %dma_start3A_412 = tpu.memref_squeeze %dma_start3A_411 : memref<1x!tpu.dma_semaphore, #tpu.memory_space<semaphore_mem>> -> memref<!tpu.dma_semaphore, #tpu.memory_space<semaphore_mem>>
    %dma_start3A_413 = arith.constant 0 : i32
    %dma_start3A_414 = tpu.memref_slice %arg5[%add3A_402, %dma_start3A_413] : memref<16384x128xf32, #tpu.memory_space<hbm>> -> memref<64x128xf32, #tpu.memory_space<hbm>>
    %dma_start3A_415 = arith.constant 0 : i32
    %dma_start3A_416 = arith.constant 0 : i32
    %dma_start3A_417 = tpu.memref_slice %arg7[%dma_start3A_403, %dma_start3A_415, %dma_start3A_416] : memref<8x64x128xf32, #tpu.memory_space<vmem>> -> memref<1x64x128xf32, #tpu.memory_space<vmem>>
    %dma_start3A_418 = tpu.memref_squeeze %dma_start3A_417 : memref<1x64x128xf32, #tpu.memory_space<vmem>> -> memref<64x128xf32, #tpu.memory_space<vmem>>
    tpu.enqueue_dma source(%dma_start3A_418 : memref<64x128xf32, #tpu.memory_space<vmem>>) target(%dma_start3A_414 : memref<64x128xf32, #tpu.memory_space<hbm>>) target_semaphore(%dma_start3A_412 : memref<!tpu.dma_semaphore, #tpu.memory_space<semaphore_mem>>)
    %dma_wait3A_419 = arith.constant 1 : i32
    %dma_wait3A_420 = arith.constant 1 : i32
    %dma_wait3A_421 = arith.constant 1 : i32
    %dma_wait3A_422 = arith.constant 1 : i32
    %dma_wait3A_423 = arith.constant 0 : i32
    %dma_wait3A_424 = arith.constant 0 : i32
    %dma_wait3A_425 = tpu.memref_slice %arg7[%dma_wait3A_421, %dma_wait3A_423, %dma_wait3A_424] : memref<8x64x128xf32, #tpu.memory_space<vmem>> -> memref<1x64x128xf32, #tpu.memory_space<vmem>>
    %dma_wait3A_426 = tpu.memref_squeeze %dma_wait3A_425 : memref<1x64x128xf32, #tpu.memory_space<vmem>> -> memref<64x128xf32, #tpu.memory_space<vmem>>
    %dma_wait3A_427 = arith.constant 0 : i32
    %dma_wait3A_428 = tpu.memref_slice %arg6[%dma_wait3A_419, %dma_wait3A_420, %dma_wait3A_427] : memref<2x8x64xi32, #tpu.memory_space<vmem>> -> memref<1x1x64xi32, #tpu.memory_space<vmem>>
    %dma_wait3A_429 = tpu.memref_squeeze %dma_wait3A_428 : memref<1x1x64xi32, #tpu.memory_space<vmem>> -> memref<64xi32, #tpu.memory_space<vmem>>
    %dma_wait3A_430 = arith.constant 0 : i32
    %dma_wait3A_431 = arith.constant 0 : i32
    %dma_wait3A_432 = tpu.memref_slice %arg4[%dma_wait3A_430, %dma_wait3A_431] : memref<100001x128xf32, #tpu.memory_space<hbm>> -> memref<100001x128xf32, #tpu.memory_space<hbm>>
    %dma_wait3A_433 = tpu.memref_slice %arg8[%dma_wait3A_422] : memref<8x!tpu.dma_semaphore, #tpu.memory_space<semaphore_mem>> -> memref<1x!tpu.dma_semaphore, #tpu.memory_space<semaphore_mem>>
    %dma_wait3A_434 = tpu.memref_squeeze %dma_wait3A_433 : memref<1x!tpu.dma_semaphore, #tpu.memory_space<semaphore_mem>> -> memref<!tpu.dma_semaphore, #tpu.memory_space<semaphore_mem>>
    tpu.wait_indirect_dma semaphore(%dma_wait3A_434 : memref<!tpu.dma_semaphore, #tpu.memory_space<semaphore_mem>>) src(%dma_wait3A_432 : memref<100001x128xf32, #tpu.memory_space<hbm>>) dst(%dma_wait3A_426 : memref<64x128xf32, #tpu.memory_space<vmem>>)
    %add3A_435 = arith.constant 64 : i32
    %add3A_436 = arith.addi %mul3A_2, %add3A_435 : i32
    %dma_start3A_437 = arith.constant 1 : i32
    %dma_start3A_438 = arith.constant 1 : i32
    %dma_start3A_439 = arith.constant 0 : i32
    %dma_start3A_440 = arith.constant 0 : i32
    %dma_start3A_441 = tpu.memref_slice %arg7[%dma_start3A_437, %dma_start3A_439, %dma_start3A_440] : memref<8x64x128xf32, #tpu.memory_space<vmem>> -> memref<1x64x128xf32, #tpu.memory_space<vmem>>
    %dma_start3A_442 = tpu.memref_squeeze %dma_start3A_441 : memref<1x64x128xf32, #tpu.memory_space<vmem>> -> memref<64x128xf32, #tpu.memory_space<vmem>>
    %dma_start3A_443 = arith.constant 0 : i32
    %dma_start3A_444 = tpu.memref_slice %arg5[%add3A_436, %dma_start3A_443] : memref<16384x128xf32, #tpu.memory_space<hbm>> -> memref<64x128xf32, #tpu.memory_space<hbm>>
    %dma_start3A_445 = tpu.memref_slice %arg9[%dma_start3A_438] : memref<8x!tpu.dma_semaphore, #tpu.memory_space<semaphore_mem>> -> memref<1x!tpu.dma_semaphore, #tpu.memory_space<semaphore_mem>>
    %dma_start3A_446 = tpu.memref_squeeze %dma_start3A_445 : memref<1x!tpu.dma_semaphore, #tpu.memory_space<semaphore_mem>> -> memref<!tpu.dma_semaphore, #tpu.memory_space<semaphore_mem>>
    %dma_start3A_447 = arith.constant 0 : i32
    %dma_start3A_448 = tpu.memref_slice %arg5[%add3A_436, %dma_start3A_447] : memref<16384x128xf32, #tpu.memory_space<hbm>> -> memref<64x128xf32, #tpu.memory_space<hbm>>
    %dma_start3A_449 = arith.constant 0 : i32
    %dma_start3A_450 = arith.constant 0 : i32
    %dma_start3A_451 = tpu.memref_slice %arg7[%dma_start3A_437, %dma_start3A_449, %dma_start3A_450] : memref<8x64x128xf32, #tpu.memory_space<vmem>> -> memref<1x64x128xf32, #tpu.memory_space<vmem>>
    %dma_start3A_452 = tpu.memref_squeeze %dma_start3A_451 : memref<1x64x128xf32, #tpu.memory_space<vmem>> -> memref<64x128xf32, #tpu.memory_space<vmem>>
    tpu.enqueue_dma source(%dma_start3A_452 : memref<64x128xf32, #tpu.memory_space<vmem>>) target(%dma_start3A_448 : memref<64x128xf32, #tpu.memory_space<hbm>>) target_semaphore(%dma_start3A_446 : memref<!tpu.dma_semaphore, #tpu.memory_space<semaphore_mem>>)
    %dma_wait3A_453 = arith.constant 1 : i32
    %dma_wait3A_454 = arith.constant 2 : i32
    %dma_wait3A_455 = arith.constant 2 : i32
    %dma_wait3A_456 = arith.constant 2 : i32
    %dma_wait3A_457 = arith.constant 0 : i32
    %dma_wait3A_458 = arith.constant 0 : i32
    %dma_wait3A_459 = tpu.memref_slice %arg7[%dma_wait3A_455, %dma_wait3A_457, %dma_wait3A_458] : memref<8x64x128xf32, #tpu.memory_space<vmem>> -> memref<1x64x128xf32, #tpu.memory_space<vmem>>
    %dma_wait3A_460 = tpu.memref_squeeze %dma_wait3A_459 : memref<1x64x128xf32, #tpu.memory_space<vmem>> -> memref<64x128xf32, #tpu.memory_space<vmem>>
    %dma_wait3A_461 = arith.constant 0 : i32
    %dma_wait3A_462 = tpu.memref_slice %arg6[%dma_wait3A_453, %dma_wait3A_454, %dma_wait3A_461] : memref<2x8x64xi32, #tpu.memory_space<vmem>> -> memref<1x1x64xi32, #tpu.memory_space<vmem>>
    %dma_wait3A_463 = tpu.memref_squeeze %dma_wait3A_462 : memref<1x1x64xi32, #tpu.memory_space<vmem>> -> memref<64xi32, #tpu.memory_space<vmem>>
    %dma_wait3A_464 = arith.constant 0 : i32
    %dma_wait3A_465 = arith.constant 0 : i32
    %dma_wait3A_466 = tpu.memref_slice %arg4[%dma_wait3A_464, %dma_wait3A_465] : memref<100001x128xf32, #tpu.memory_space<hbm>> -> memref<100001x128xf32, #tpu.memory_space<hbm>>
    %dma_wait3A_467 = tpu.memref_slice %arg8[%dma_wait3A_456] : memref<8x!tpu.dma_semaphore, #tpu.memory_space<semaphore_mem>> -> memref<1x!tpu.dma_semaphore, #tpu.memory_space<semaphore_mem>>
    %dma_wait3A_468 = tpu.memref_squeeze %dma_wait3A_467 : memref<1x!tpu.dma_semaphore, #tpu.memory_space<semaphore_mem>> -> memref<!tpu.dma_semaphore, #tpu.memory_space<semaphore_mem>>
    tpu.wait_indirect_dma semaphore(%dma_wait3A_468 : memref<!tpu.dma_semaphore, #tpu.memory_space<semaphore_mem>>) src(%dma_wait3A_466 : memref<100001x128xf32, #tpu.memory_space<hbm>>) dst(%dma_wait3A_460 : memref<64x128xf32, #tpu.memory_space<vmem>>)
    %add3A_469 = arith.constant 128 : i32
    %add3A_470 = arith.addi %mul3A_2, %add3A_469 : i32
    %dma_start3A_471 = arith.constant 2 : i32
    %dma_start3A_472 = arith.constant 2 : i32
    %dma_start3A_473 = arith.constant 0 : i32
    %dma_start3A_474 = arith.constant 0 : i32
    %dma_start3A_475 = tpu.memref_slice %arg7[%dma_start3A_471, %dma_start3A_473, %dma_start3A_474] : memref<8x64x128xf32, #tpu.memory_space<vmem>> -> memref<1x64x128xf32, #tpu.memory_space<vmem>>
    %dma_start3A_476 = tpu.memref_squeeze %dma_start3A_475 : memref<1x64x128xf32, #tpu.memory_space<vmem>> -> memref<64x128xf32, #tpu.memory_space<vmem>>
    %dma_start3A_477 = arith.constant 0 : i32
    %dma_start3A_478 = tpu.memref_slice %arg5[%add3A_470, %dma_start3A_477] : memref<16384x128xf32, #tpu.memory_space<hbm>> -> memref<64x128xf32, #tpu.memory_space<hbm>>
    %dma_start3A_479 = tpu.memref_slice %arg9[%dma_start3A_472] : memref<8x!tpu.dma_semaphore, #tpu.memory_space<semaphore_mem>> -> memref<1x!tpu.dma_semaphore, #tpu.memory_space<semaphore_mem>>
    %dma_start3A_480 = tpu.memref_squeeze %dma_start3A_479 : memref<1x!tpu.dma_semaphore, #tpu.memory_space<semaphore_mem>> -> memref<!tpu.dma_semaphore, #tpu.memory_space<semaphore_mem>>
    %dma_start3A_481 = arith.constant 0 : i32
    %dma_start3A_482 = tpu.memref_slice %arg5[%add3A_470, %dma_start3A_481] : memref<16384x128xf32, #tpu.memory_space<hbm>> -> memref<64x128xf32, #tpu.memory_space<hbm>>
    %dma_start3A_483 = arith.constant 0 : i32
    %dma_start3A_484 = arith.constant 0 : i32
    %dma_start3A_485 = tpu.memref_slice %arg7[%dma_start3A_471, %dma_start3A_483, %dma_start3A_484] : memref<8x64x128xf32, #tpu.memory_space<vmem>> -> memref<1x64x128xf32, #tpu.memory_space<vmem>>
    %dma_start3A_486 = tpu.memref_squeeze %dma_start3A_485 : memref<1x64x128xf32, #tpu.memory_space<vmem>> -> memref<64x128xf32, #tpu.memory_space<vmem>>
    tpu.enqueue_dma source(%dma_start3A_486 : memref<64x128xf32, #tpu.memory_space<vmem>>) target(%dma_start3A_482 : memref<64x128xf32, #tpu.memory_space<hbm>>) target_semaphore(%dma_start3A_480 : memref<!tpu.dma_semaphore, #tpu.memory_space<semaphore_mem>>)
    %dma_wait3A_487 = arith.constant 1 : i32
    %dma_wait3A_488 = arith.constant 3 : i32
    %dma_wait3A_489 = arith.constant 3 : i32
    %dma_wait3A_490 = arith.constant 3 : i32
    %dma_wait3A_491 = arith.constant 0 : i32
    %dma_wait3A_492 = arith.constant 0 : i32
    %dma_wait3A_493 = tpu.memref_slice %arg7[%dma_wait3A_489, %dma_wait3A_491, %dma_wait3A_492] : memref<8x64x128xf32, #tpu.memory_space<vmem>> -> memref<1x64x128xf32, #tpu.memory_space<vmem>>
    %dma_wait3A_494 = tpu.memref_squeeze %dma_wait3A_493 : memref<1x64x128xf32, #tpu.memory_space<vmem>> -> memref<64x128xf32, #tpu.memory_space<vmem>>
    %dma_wait3A_495 = arith.constant 0 : i32
    %dma_wait3A_496 = tpu.memref_slice %arg6[%dma_wait3A_487, %dma_wait3A_488, %dma_wait3A_495] : memref<2x8x64xi32, #tpu.memory_space<vmem>> -> memref<1x1x64xi32, #tpu.memory_space<vmem>>
    %dma_wait3A_497 = tpu.memref_squeeze %dma_wait3A_496 : memref<1x1x64xi32, #tpu.memory_space<vmem>> -> memref<64xi32, #tpu.memory_space<vmem>>
    %dma_wait3A_498 = arith.constant 0 : i32
    %dma_wait3A_499 = arith.constant 0 : i32
    %dma_wait3A_500 = tpu.memref_slice %arg4[%dma_wait3A_498, %dma_wait3A_499] : memref<100001x128xf32, #tpu.memory_space<hbm>> -> memref<100001x128xf32, #tpu.memory_space<hbm>>
    %dma_wait3A_501 = tpu.memref_slice %arg8[%dma_wait3A_490] : memref<8x!tpu.dma_semaphore, #tpu.memory_space<semaphore_mem>> -> memref<1x!tpu.dma_semaphore, #tpu.memory_space<semaphore_mem>>
    %dma_wait3A_502 = tpu.memref_squeeze %dma_wait3A_501 : memref<1x!tpu.dma_semaphore, #tpu.memory_space<semaphore_mem>> -> memref<!tpu.dma_semaphore, #tpu.memory_space<semaphore_mem>>
    tpu.wait_indirect_dma semaphore(%dma_wait3A_502 : memref<!tpu.dma_semaphore, #tpu.memory_space<semaphore_mem>>) src(%dma_wait3A_500 : memref<100001x128xf32, #tpu.memory_space<hbm>>) dst(%dma_wait3A_494 : memref<64x128xf32, #tpu.memory_space<vmem>>)
    %add3A_503 = arith.constant 192 : i32
    %add3A_504 = arith.addi %mul3A_2, %add3A_503 : i32
    %dma_start3A_505 = arith.constant 3 : i32
    %dma_start3A_506 = arith.constant 3 : i32
    %dma_start3A_507 = arith.constant 0 : i32
    %dma_start3A_508 = arith.constant 0 : i32
    %dma_start3A_509 = tpu.memref_slice %arg7[%dma_start3A_505, %dma_start3A_507, %dma_start3A_508] : memref<8x64x128xf32, #tpu.memory_space<vmem>> -> memref<1x64x128xf32, #tpu.memory_space<vmem>>
    %dma_start3A_510 = tpu.memref_squeeze %dma_start3A_509 : memref<1x64x128xf32, #tpu.memory_space<vmem>> -> memref<64x128xf32, #tpu.memory_space<vmem>>
    %dma_start3A_511 = arith.constant 0 : i32
    %dma_start3A_512 = tpu.memref_slice %arg5[%add3A_504, %dma_start3A_511] : memref<16384x128xf32, #tpu.memory_space<hbm>> -> memref<64x128xf32, #tpu.memory_space<hbm>>
    %dma_start3A_513 = tpu.memref_slice %arg9[%dma_start3A_506] : memref<8x!tpu.dma_semaphore, #tpu.memory_space<semaphore_mem>> -> memref<1x!tpu.dma_semaphore, #tpu.memory_space<semaphore_mem>>
    %dma_start3A_514 = tpu.memref_squeeze %dma_start3A_513 : memref<1x!tpu.dma_semaphore, #tpu.memory_space<semaphore_mem>> -> memref<!tpu.dma_semaphore, #tpu.memory_space<semaphore_mem>>
    %dma_start3A_515 = arith.constant 0 : i32
    %dma_start3A_516 = tpu.memref_slice %arg5[%add3A_504, %dma_start3A_515] : memref<16384x128xf32, #tpu.memory_space<hbm>> -> memref<64x128xf32, #tpu.memory_space<hbm>>
    %dma_start3A_517 = arith.constant 0 : i32
    %dma_start3A_518 = arith.constant 0 : i32
    %dma_start3A_519 = tpu.memref_slice %arg7[%dma_start3A_505, %dma_start3A_517, %dma_start3A_518] : memref<8x64x128xf32, #tpu.memory_space<vmem>> -> memref<1x64x128xf32, #tpu.memory_space<vmem>>
    %dma_start3A_520 = tpu.memref_squeeze %dma_start3A_519 : memref<1x64x128xf32, #tpu.memory_space<vmem>> -> memref<64x128xf32, #tpu.memory_space<vmem>>
    tpu.enqueue_dma source(%dma_start3A_520 : memref<64x128xf32, #tpu.memory_space<vmem>>) target(%dma_start3A_516 : memref<64x128xf32, #tpu.memory_space<hbm>>) target_semaphore(%dma_start3A_514 : memref<!tpu.dma_semaphore, #tpu.memory_space<semaphore_mem>>)
    %dma_wait3A_521 = arith.constant 1 : i32
    %dma_wait3A_522 = arith.constant 4 : i32
    %dma_wait3A_523 = arith.constant 4 : i32
    %dma_wait3A_524 = arith.constant 4 : i32
    %dma_wait3A_525 = arith.constant 0 : i32
    %dma_wait3A_526 = arith.constant 0 : i32
    %dma_wait3A_527 = tpu.memref_slice %arg7[%dma_wait3A_523, %dma_wait3A_525, %dma_wait3A_526] : memref<8x64x128xf32, #tpu.memory_space<vmem>> -> memref<1x64x128xf32, #tpu.memory_space<vmem>>
    %dma_wait3A_528 = tpu.memref_squeeze %dma_wait3A_527 : memref<1x64x128xf32, #tpu.memory_space<vmem>> -> memref<64x128xf32, #tpu.memory_space<vmem>>
    %dma_wait3A_529 = arith.constant 0 : i32
    %dma_wait3A_530 = tpu.memref_slice %arg6[%dma_wait3A_521, %dma_wait3A_522, %dma_wait3A_529] : memref<2x8x64xi32, #tpu.memory_space<vmem>> -> memref<1x1x64xi32, #tpu.memory_space<vmem>>
    %dma_wait3A_531 = tpu.memref_squeeze %dma_wait3A_530 : memref<1x1x64xi32, #tpu.memory_space<vmem>> -> memref<64xi32, #tpu.memory_space<vmem>>
    %dma_wait3A_532 = arith.constant 0 : i32
    %dma_wait3A_533 = arith.constant 0 : i32
    %dma_wait3A_534 = tpu.memref_slice %arg4[%dma_wait3A_532, %dma_wait3A_533] : memref<100001x128xf32, #tpu.memory_space<hbm>> -> memref<100001x128xf32, #tpu.memory_space<hbm>>
    %dma_wait3A_535 = tpu.memref_slice %arg8[%dma_wait3A_524] : memref<8x!tpu.dma_semaphore, #tpu.memory_space<semaphore_mem>> -> memref<1x!tpu.dma_semaphore, #tpu.memory_space<semaphore_mem>>
    %dma_wait3A_536 = tpu.memref_squeeze %dma_wait3A_535 : memref<1x!tpu.dma_semaphore, #tpu.memory_space<semaphore_mem>> -> memref<!tpu.dma_semaphore, #tpu.memory_space<semaphore_mem>>
    tpu.wait_indirect_dma semaphore(%dma_wait3A_536 : memref<!tpu.dma_semaphore, #tpu.memory_space<semaphore_mem>>) src(%dma_wait3A_534 : memref<100001x128xf32, #tpu.memory_space<hbm>>) dst(%dma_wait3A_528 : memref<64x128xf32, #tpu.memory_space<vmem>>)
    %add3A_537 = arith.constant 256 : i32
    %add3A_538 = arith.addi %mul3A_2, %add3A_537 : i32
    %dma_start3A_539 = arith.constant 4 : i32
    %dma_start3A_540 = arith.constant 4 : i32
    %dma_start3A_541 = arith.constant 0 : i32
    %dma_start3A_542 = arith.constant 0 : i32
    %dma_start3A_543 = tpu.memref_slice %arg7[%dma_start3A_539, %dma_start3A_541, %dma_start3A_542] : memref<8x64x128xf32, #tpu.memory_space<vmem>> -> memref<1x64x128xf32, #tpu.memory_space<vmem>>
    %dma_start3A_544 = tpu.memref_squeeze %dma_start3A_543 : memref<1x64x128xf32, #tpu.memory_space<vmem>> -> memref<64x128xf32, #tpu.memory_space<vmem>>
    %dma_start3A_545 = arith.constant 0 : i32
    %dma_start3A_546 = tpu.memref_slice %arg5[%add3A_538, %dma_start3A_545] : memref<16384x128xf32, #tpu.memory_space<hbm>> -> memref<64x128xf32, #tpu.memory_space<hbm>>
    %dma_start3A_547 = tpu.memref_slice %arg9[%dma_start3A_540] : memref<8x!tpu.dma_semaphore, #tpu.memory_space<semaphore_mem>> -> memref<1x!tpu.dma_semaphore, #tpu.memory_space<semaphore_mem>>
    %dma_start3A_548 = tpu.memref_squeeze %dma_start3A_547 : memref<1x!tpu.dma_semaphore, #tpu.memory_space<semaphore_mem>> -> memref<!tpu.dma_semaphore, #tpu.memory_space<semaphore_mem>>
    %dma_start3A_549 = arith.constant 0 : i32
    %dma_start3A_550 = tpu.memref_slice %arg5[%add3A_538, %dma_start3A_549] : memref<16384x128xf32, #tpu.memory_space<hbm>> -> memref<64x128xf32, #tpu.memory_space<hbm>>
    %dma_start3A_551 = arith.constant 0 : i32
    %dma_start3A_552 = arith.constant 0 : i32
    %dma_start3A_553 = tpu.memref_slice %arg7[%dma_start3A_539, %dma_start3A_551, %dma_start3A_552] : memref<8x64x128xf32, #tpu.memory_space<vmem>> -> memref<1x64x128xf32, #tpu.memory_space<vmem>>
    %dma_start3A_554 = tpu.memref_squeeze %dma_start3A_553 : memref<1x64x128xf32, #tpu.memory_space<vmem>> -> memref<64x128xf32, #tpu.memory_space<vmem>>
    tpu.enqueue_dma source(%dma_start3A_554 : memref<64x128xf32, #tpu.memory_space<vmem>>) target(%dma_start3A_550 : memref<64x128xf32, #tpu.memory_space<hbm>>) target_semaphore(%dma_start3A_548 : memref<!tpu.dma_semaphore, #tpu.memory_space<semaphore_mem>>)
    %dma_wait3A_555 = arith.constant 1 : i32
    %dma_wait3A_556 = arith.constant 5 : i32
    %dma_wait3A_557 = arith.constant 5 : i32
    %dma_wait3A_558 = arith.constant 5 : i32
    %dma_wait3A_559 = arith.constant 0 : i32
    %dma_wait3A_560 = arith.constant 0 : i32
    %dma_wait3A_561 = tpu.memref_slice %arg7[%dma_wait3A_557, %dma_wait3A_559, %dma_wait3A_560] : memref<8x64x128xf32, #tpu.memory_space<vmem>> -> memref<1x64x128xf32, #tpu.memory_space<vmem>>
    %dma_wait3A_562 = tpu.memref_squeeze %dma_wait3A_561 : memref<1x64x128xf32, #tpu.memory_space<vmem>> -> memref<64x128xf32, #tpu.memory_space<vmem>>
    %dma_wait3A_563 = arith.constant 0 : i32
    %dma_wait3A_564 = tpu.memref_slice %arg6[%dma_wait3A_555, %dma_wait3A_556, %dma_wait3A_563] : memref<2x8x64xi32, #tpu.memory_space<vmem>> -> memref<1x1x64xi32, #tpu.memory_space<vmem>>
    %dma_wait3A_565 = tpu.memref_squeeze %dma_wait3A_564 : memref<1x1x64xi32, #tpu.memory_space<vmem>> -> memref<64xi32, #tpu.memory_space<vmem>>
    %dma_wait3A_566 = arith.constant 0 : i32
    %dma_wait3A_567 = arith.constant 0 : i32
    %dma_wait3A_568 = tpu.memref_slice %arg4[%dma_wait3A_566, %dma_wait3A_567] : memref<100001x128xf32, #tpu.memory_space<hbm>> -> memref<100001x128xf32, #tpu.memory_space<hbm>>
    %dma_wait3A_569 = tpu.memref_slice %arg8[%dma_wait3A_558] : memref<8x!tpu.dma_semaphore, #tpu.memory_space<semaphore_mem>> -> memref<1x!tpu.dma_semaphore, #tpu.memory_space<semaphore_mem>>
    %dma_wait3A_570 = tpu.memref_squeeze %dma_wait3A_569 : memref<1x!tpu.dma_semaphore, #tpu.memory_space<semaphore_mem>> -> memref<!tpu.dma_semaphore, #tpu.memory_space<semaphore_mem>>
    tpu.wait_indirect_dma semaphore(%dma_wait3A_570 : memref<!tpu.dma_semaphore, #tpu.memory_space<semaphore_mem>>) src(%dma_wait3A_568 : memref<100001x128xf32, #tpu.memory_space<hbm>>) dst(%dma_wait3A_562 : memref<64x128xf32, #tpu.memory_space<vmem>>)
    %add3A_571 = arith.constant 320 : i32
    %add3A_572 = arith.addi %mul3A_2, %add3A_571 : i32
    %dma_start3A_573 = arith.constant 5 : i32
    %dma_start3A_574 = arith.constant 5 : i32
    %dma_start3A_575 = arith.constant 0 : i32
    %dma_start3A_576 = arith.constant 0 : i32
    %dma_start3A_577 = tpu.memref_slice %arg7[%dma_start3A_573, %dma_start3A_575, %dma_start3A_576] : memref<8x64x128xf32, #tpu.memory_space<vmem>> -> memref<1x64x128xf32, #tpu.memory_space<vmem>>
    %dma_start3A_578 = tpu.memref_squeeze %dma_start3A_577 : memref<1x64x128xf32, #tpu.memory_space<vmem>> -> memref<64x128xf32, #tpu.memory_space<vmem>>
    %dma_start3A_579 = arith.constant 0 : i32
    %dma_start3A_580 = tpu.memref_slice %arg5[%add3A_572, %dma_start3A_579] : memref<16384x128xf32, #tpu.memory_space<hbm>> -> memref<64x128xf32, #tpu.memory_space<hbm>>
    %dma_start3A_581 = tpu.memref_slice %arg9[%dma_start3A_574] : memref<8x!tpu.dma_semaphore, #tpu.memory_space<semaphore_mem>> -> memref<1x!tpu.dma_semaphore, #tpu.memory_space<semaphore_mem>>
    %dma_start3A_582 = tpu.memref_squeeze %dma_start3A_581 : memref<1x!tpu.dma_semaphore, #tpu.memory_space<semaphore_mem>> -> memref<!tpu.dma_semaphore, #tpu.memory_space<semaphore_mem>>
    %dma_start3A_583 = arith.constant 0 : i32
    %dma_start3A_584 = tpu.memref_slice %arg5[%add3A_572, %dma_start3A_583] : memref<16384x128xf32, #tpu.memory_space<hbm>> -> memref<64x128xf32, #tpu.memory_space<hbm>>
    %dma_start3A_585 = arith.constant 0 : i32
    %dma_start3A_586 = arith.constant 0 : i32
    %dma_start3A_587 = tpu.memref_slice %arg7[%dma_start3A_573, %dma_start3A_585, %dma_start3A_586] : memref<8x64x128xf32, #tpu.memory_space<vmem>> -> memref<1x64x128xf32, #tpu.memory_space<vmem>>
    %dma_start3A_588 = tpu.memref_squeeze %dma_start3A_587 : memref<1x64x128xf32, #tpu.memory_space<vmem>> -> memref<64x128xf32, #tpu.memory_space<vmem>>
    tpu.enqueue_dma source(%dma_start3A_588 : memref<64x128xf32, #tpu.memory_space<vmem>>) target(%dma_start3A_584 : memref<64x128xf32, #tpu.memory_space<hbm>>) target_semaphore(%dma_start3A_582 : memref<!tpu.dma_semaphore, #tpu.memory_space<semaphore_mem>>)
    %dma_wait3A_589 = arith.constant 1 : i32
    %dma_wait3A_590 = arith.constant 6 : i32
    %dma_wait3A_591 = arith.constant 6 : i32
    %dma_wait3A_592 = arith.constant 6 : i32
    %dma_wait3A_593 = arith.constant 0 : i32
    %dma_wait3A_594 = arith.constant 0 : i32
    %dma_wait3A_595 = tpu.memref_slice %arg7[%dma_wait3A_591, %dma_wait3A_593, %dma_wait3A_594] : memref<8x64x128xf32, #tpu.memory_space<vmem>> -> memref<1x64x128xf32, #tpu.memory_space<vmem>>
    %dma_wait3A_596 = tpu.memref_squeeze %dma_wait3A_595 : memref<1x64x128xf32, #tpu.memory_space<vmem>> -> memref<64x128xf32, #tpu.memory_space<vmem>>
    %dma_wait3A_597 = arith.constant 0 : i32
    %dma_wait3A_598 = tpu.memref_slice %arg6[%dma_wait3A_589, %dma_wait3A_590, %dma_wait3A_597] : memref<2x8x64xi32, #tpu.memory_space<vmem>> -> memref<1x1x64xi32, #tpu.memory_space<vmem>>
    %dma_wait3A_599 = tpu.memref_squeeze %dma_wait3A_598 : memref<1x1x64xi32, #tpu.memory_space<vmem>> -> memref<64xi32, #tpu.memory_space<vmem>>
    %dma_wait3A_600 = arith.constant 0 : i32
    %dma_wait3A_601 = arith.constant 0 : i32
    %dma_wait3A_602 = tpu.memref_slice %arg4[%dma_wait3A_600, %dma_wait3A_601] : memref<100001x128xf32, #tpu.memory_space<hbm>> -> memref<100001x128xf32, #tpu.memory_space<hbm>>
    %dma_wait3A_603 = tpu.memref_slice %arg8[%dma_wait3A_592] : memref<8x!tpu.dma_semaphore, #tpu.memory_space<semaphore_mem>> -> memref<1x!tpu.dma_semaphore, #tpu.memory_space<semaphore_mem>>
    %dma_wait3A_604 = tpu.memref_squeeze %dma_wait3A_603 : memref<1x!tpu.dma_semaphore, #tpu.memory_space<semaphore_mem>> -> memref<!tpu.dma_semaphore, #tpu.memory_space<semaphore_mem>>
    tpu.wait_indirect_dma semaphore(%dma_wait3A_604 : memref<!tpu.dma_semaphore, #tpu.memory_space<semaphore_mem>>) src(%dma_wait3A_602 : memref<100001x128xf32, #tpu.memory_space<hbm>>) dst(%dma_wait3A_596 : memref<64x128xf32, #tpu.memory_space<vmem>>)
    %add3A_605 = arith.constant 384 : i32
    %add3A_606 = arith.addi %mul3A_2, %add3A_605 : i32
    %dma_start3A_607 = arith.constant 6 : i32
    %dma_start3A_608 = arith.constant 6 : i32
    %dma_start3A_609 = arith.constant 0 : i32
    %dma_start3A_610 = arith.constant 0 : i32
    %dma_start3A_611 = tpu.memref_slice %arg7[%dma_start3A_607, %dma_start3A_609, %dma_start3A_610] : memref<8x64x128xf32, #tpu.memory_space<vmem>> -> memref<1x64x128xf32, #tpu.memory_space<vmem>>
    %dma_start3A_612 = tpu.memref_squeeze %dma_start3A_611 : memref<1x64x128xf32, #tpu.memory_space<vmem>> -> memref<64x128xf32, #tpu.memory_space<vmem>>
    %dma_start3A_613 = arith.constant 0 : i32
    %dma_start3A_614 = tpu.memref_slice %arg5[%add3A_606, %dma_start3A_613] : memref<16384x128xf32, #tpu.memory_space<hbm>> -> memref<64x128xf32, #tpu.memory_space<hbm>>
    %dma_start3A_615 = tpu.memref_slice %arg9[%dma_start3A_608] : memref<8x!tpu.dma_semaphore, #tpu.memory_space<semaphore_mem>> -> memref<1x!tpu.dma_semaphore, #tpu.memory_space<semaphore_mem>>
    %dma_start3A_616 = tpu.memref_squeeze %dma_start3A_615 : memref<1x!tpu.dma_semaphore, #tpu.memory_space<semaphore_mem>> -> memref<!tpu.dma_semaphore, #tpu.memory_space<semaphore_mem>>
    %dma_start3A_617 = arith.constant 0 : i32
    %dma_start3A_618 = tpu.memref_slice %arg5[%add3A_606, %dma_start3A_617] : memref<16384x128xf32, #tpu.memory_space<hbm>> -> memref<64x128xf32, #tpu.memory_space<hbm>>
    %dma_start3A_619 = arith.constant 0 : i32
    %dma_start3A_620 = arith.constant 0 : i32
    %dma_start3A_621 = tpu.memref_slice %arg7[%dma_start3A_607, %dma_start3A_619, %dma_start3A_620] : memref<8x64x128xf32, #tpu.memory_space<vmem>> -> memref<1x64x128xf32, #tpu.memory_space<vmem>>
    %dma_start3A_622 = tpu.memref_squeeze %dma_start3A_621 : memref<1x64x128xf32, #tpu.memory_space<vmem>> -> memref<64x128xf32, #tpu.memory_space<vmem>>
    tpu.enqueue_dma source(%dma_start3A_622 : memref<64x128xf32, #tpu.memory_space<vmem>>) target(%dma_start3A_618 : memref<64x128xf32, #tpu.memory_space<hbm>>) target_semaphore(%dma_start3A_616 : memref<!tpu.dma_semaphore, #tpu.memory_space<semaphore_mem>>)
    %dma_wait3A_623 = arith.constant 1 : i32
    %dma_wait3A_624 = arith.constant 7 : i32
    %dma_wait3A_625 = arith.constant 7 : i32
    %dma_wait3A_626 = arith.constant 7 : i32
    %dma_wait3A_627 = arith.constant 0 : i32
    %dma_wait3A_628 = arith.constant 0 : i32
    %dma_wait3A_629 = tpu.memref_slice %arg7[%dma_wait3A_625, %dma_wait3A_627, %dma_wait3A_628] : memref<8x64x128xf32, #tpu.memory_space<vmem>> -> memref<1x64x128xf32, #tpu.memory_space<vmem>>
    %dma_wait3A_630 = tpu.memref_squeeze %dma_wait3A_629 : memref<1x64x128xf32, #tpu.memory_space<vmem>> -> memref<64x128xf32, #tpu.memory_space<vmem>>
    %dma_wait3A_631 = arith.constant 0 : i32
    %dma_wait3A_632 = tpu.memref_slice %arg6[%dma_wait3A_623, %dma_wait3A_624, %dma_wait3A_631] : memref<2x8x64xi32, #tpu.memory_space<vmem>> -> memref<1x1x64xi32, #tpu.memory_space<vmem>>
    %dma_wait3A_633 = tpu.memref_squeeze %dma_wait3A_632 : memref<1x1x64xi32, #tpu.memory_space<vmem>> -> memref<64xi32, #tpu.memory_space<vmem>>
    %dma_wait3A_634 = arith.constant 0 : i32
    %dma_wait3A_635 = arith.constant 0 : i32
    %dma_wait3A_636 = tpu.memref_slice %arg4[%dma_wait3A_634, %dma_wait3A_635] : memref<100001x128xf32, #tpu.memory_space<hbm>> -> memref<100001x128xf32, #tpu.memory_space<hbm>>
    %dma_wait3A_637 = tpu.memref_slice %arg8[%dma_wait3A_626] : memref<8x!tpu.dma_semaphore, #tpu.memory_space<semaphore_mem>> -> memref<1x!tpu.dma_semaphore, #tpu.memory_space<semaphore_mem>>
    %dma_wait3A_638 = tpu.memref_squeeze %dma_wait3A_637 : memref<1x!tpu.dma_semaphore, #tpu.memory_space<semaphore_mem>> -> memref<!tpu.dma_semaphore, #tpu.memory_space<semaphore_mem>>
    tpu.wait_indirect_dma semaphore(%dma_wait3A_638 : memref<!tpu.dma_semaphore, #tpu.memory_space<semaphore_mem>>) src(%dma_wait3A_636 : memref<100001x128xf32, #tpu.memory_space<hbm>>) dst(%dma_wait3A_630 : memref<64x128xf32, #tpu.memory_space<vmem>>)
    %add3A_639 = arith.constant 448 : i32
    %add3A_640 = arith.addi %mul3A_2, %add3A_639 : i32
    %dma_start3A_641 = arith.constant 7 : i32
    %dma_start3A_642 = arith.constant 7 : i32
    %dma_start3A_643 = arith.constant 0 : i32
    %dma_start3A_644 = arith.constant 0 : i32
    %dma_start3A_645 = tpu.memref_slice %arg7[%dma_start3A_641, %dma_start3A_643, %dma_start3A_644] : memref<8x64x128xf32, #tpu.memory_space<vmem>> -> memref<1x64x128xf32, #tpu.memory_space<vmem>>
    %dma_start3A_646 = tpu.memref_squeeze %dma_start3A_645 : memref<1x64x128xf32, #tpu.memory_space<vmem>> -> memref<64x128xf32, #tpu.memory_space<vmem>>
    %dma_start3A_647 = arith.constant 0 : i32
    %dma_start3A_648 = tpu.memref_slice %arg5[%add3A_640, %dma_start3A_647] : memref<16384x128xf32, #tpu.memory_space<hbm>> -> memref<64x128xf32, #tpu.memory_space<hbm>>
    %dma_start3A_649 = tpu.memref_slice %arg9[%dma_start3A_642] : memref<8x!tpu.dma_semaphore, #tpu.memory_space<semaphore_mem>> -> memref<1x!tpu.dma_semaphore, #tpu.memory_space<semaphore_mem>>
    %dma_start3A_650 = tpu.memref_squeeze %dma_start3A_649 : memref<1x!tpu.dma_semaphore, #tpu.memory_space<semaphore_mem>> -> memref<!tpu.dma_semaphore, #tpu.memory_space<semaphore_mem>>
    %dma_start3A_651 = arith.constant 0 : i32
    %dma_start3A_652 = tpu.memref_slice %arg5[%add3A_640, %dma_start3A_651] : memref<16384x128xf32, #tpu.memory_space<hbm>> -> memref<64x128xf32, #tpu.memory_space<hbm>>
    %dma_start3A_653 = arith.constant 0 : i32
    %dma_start3A_654 = arith.constant 0 : i32
    %dma_start3A_655 = tpu.memref_slice %arg7[%dma_start3A_641, %dma_start3A_653, %dma_start3A_654] : memref<8x64x128xf32, #tpu.memory_space<vmem>> -> memref<1x64x128xf32, #tpu.memory_space<vmem>>
    %dma_start3A_656 = tpu.memref_squeeze %dma_start3A_655 : memref<1x64x128xf32, #tpu.memory_space<vmem>> -> memref<64x128xf32, #tpu.memory_space<vmem>>
    tpu.enqueue_dma source(%dma_start3A_656 : memref<64x128xf32, #tpu.memory_space<vmem>>) target(%dma_start3A_652 : memref<64x128xf32, #tpu.memory_space<hbm>>) target_semaphore(%dma_start3A_650 : memref<!tpu.dma_semaphore, #tpu.memory_space<semaphore_mem>>)
    %dma_wait3A_657 = arith.constant 0 : i32
    %dma_wait3A_658 = arith.constant 0 : i32
    %dma_wait3A_659 = arith.constant 0 : i32
    %dma_wait3A_660 = arith.constant 0 : i32
    %dma_wait3A_661 = tpu.memref_slice %arg7[%dma_wait3A_657, %dma_wait3A_659, %dma_wait3A_660] : memref<8x64x128xf32, #tpu.memory_space<vmem>> -> memref<1x64x128xf32, #tpu.memory_space<vmem>>
    %dma_wait3A_662 = tpu.memref_squeeze %dma_wait3A_661 : memref<1x64x128xf32, #tpu.memory_space<vmem>> -> memref<64x128xf32, #tpu.memory_space<vmem>>
    %dma_wait3A_663 = arith.constant 0 : i32
    %dma_wait3A_664 = tpu.memref_slice %arg5[%add3A_402, %dma_wait3A_663] : memref<16384x128xf32, #tpu.memory_space<hbm>> -> memref<64x128xf32, #tpu.memory_space<hbm>>
    %dma_wait3A_665 = tpu.memref_slice %arg9[%dma_wait3A_658] : memref<8x!tpu.dma_semaphore, #tpu.memory_space<semaphore_mem>> -> memref<1x!tpu.dma_semaphore, #tpu.memory_space<semaphore_mem>>
    %dma_wait3A_666 = tpu.memref_squeeze %dma_wait3A_665 : memref<1x!tpu.dma_semaphore, #tpu.memory_space<semaphore_mem>> -> memref<!tpu.dma_semaphore, #tpu.memory_space<semaphore_mem>>
    %dma_wait3A_667 = arith.constant 0 : i32
    %dma_wait3A_668 = tpu.memref_slice %arg5[%add3A_402, %dma_wait3A_667] : memref<16384x128xf32, #tpu.memory_space<hbm>> -> memref<64x128xf32, #tpu.memory_space<hbm>>
    %dma_wait3A_669 = arith.constant 0 : i32
    %dma_wait3A_670 = arith.constant 0 : i32
    %dma_wait3A_671 = tpu.memref_slice %arg7[%dma_wait3A_657, %dma_wait3A_669, %dma_wait3A_670] : memref<8x64x128xf32, #tpu.memory_space<vmem>> -> memref<1x64x128xf32, #tpu.memory_space<vmem>>
    %dma_wait3A_672 = tpu.memref_squeeze %dma_wait3A_671 : memref<1x64x128xf32, #tpu.memory_space<vmem>> -> memref<64x128xf32, #tpu.memory_space<vmem>>
    tpu.wait_dma2 semaphore(%dma_wait3A_666 : memref<!tpu.dma_semaphore, #tpu.memory_space<semaphore_mem>>) src(%dma_wait3A_672 : memref<64x128xf32, #tpu.memory_space<vmem>>) dst(%dma_wait3A_668 : memref<64x128xf32, #tpu.memory_space<hbm>>)
    %dma_wait3A_673 = arith.constant 1 : i32
    %dma_wait3A_674 = arith.constant 1 : i32
    %dma_wait3A_675 = arith.constant 0 : i32
    %dma_wait3A_676 = arith.constant 0 : i32
    %dma_wait3A_677 = tpu.memref_slice %arg7[%dma_wait3A_673, %dma_wait3A_675, %dma_wait3A_676] : memref<8x64x128xf32, #tpu.memory_space<vmem>> -> memref<1x64x128xf32, #tpu.memory_space<vmem>>
    %dma_wait3A_678 = tpu.memref_squeeze %dma_wait3A_677 : memref<1x64x128xf32, #tpu.memory_space<vmem>> -> memref<64x128xf32, #tpu.memory_space<vmem>>
    %dma_wait3A_679 = arith.constant 0 : i32
    %dma_wait3A_680 = tpu.memref_slice %arg5[%add3A_436, %dma_wait3A_679] : memref<16384x128xf32, #tpu.memory_space<hbm>> -> memref<64x128xf32, #tpu.memory_space<hbm>>
    %dma_wait3A_681 = tpu.memref_slice %arg9[%dma_wait3A_674] : memref<8x!tpu.dma_semaphore, #tpu.memory_space<semaphore_mem>> -> memref<1x!tpu.dma_semaphore, #tpu.memory_space<semaphore_mem>>
    %dma_wait3A_682 = tpu.memref_squeeze %dma_wait3A_681 : memref<1x!tpu.dma_semaphore, #tpu.memory_space<semaphore_mem>> -> memref<!tpu.dma_semaphore, #tpu.memory_space<semaphore_mem>>
    %dma_wait3A_683 = arith.constant 0 : i32
    %dma_wait3A_684 = tpu.memref_slice %arg5[%add3A_436, %dma_wait3A_683] : memref<16384x128xf32, #tpu.memory_space<hbm>> -> memref<64x128xf32, #tpu.memory_space<hbm>>
    %dma_wait3A_685 = arith.constant 0 : i32
    %dma_wait3A_686 = arith.constant 0 : i32
    %dma_wait3A_687 = tpu.memref_slice %arg7[%dma_wait3A_673, %dma_wait3A_685, %dma_wait3A_686] : memref<8x64x128xf32, #tpu.memory_space<vmem>> -> memref<1x64x128xf32, #tpu.memory_space<vmem>>
    %dma_wait3A_688 = tpu.memref_squeeze %dma_wait3A_687 : memref<1x64x128xf32, #tpu.memory_space<vmem>> -> memref<64x128xf32, #tpu.memory_space<vmem>>
    tpu.wait_dma2 semaphore(%dma_wait3A_682 : memref<!tpu.dma_semaphore, #tpu.memory_space<semaphore_mem>>) src(%dma_wait3A_688 : memref<64x128xf32, #tpu.memory_space<vmem>>) dst(%dma_wait3A_684 : memref<64x128xf32, #tpu.memory_space<hbm>>)
    %dma_wait3A_689 = arith.constant 2 : i32
    %dma_wait3A_690 = arith.constant 2 : i32
    %dma_wait3A_691 = arith.constant 0 : i32
    %dma_wait3A_692 = arith.constant 0 : i32
    %dma_wait3A_693 = tpu.memref_slice %arg7[%dma_wait3A_689, %dma_wait3A_691, %dma_wait3A_692] : memref<8x64x128xf32, #tpu.memory_space<vmem>> -> memref<1x64x128xf32, #tpu.memory_space<vmem>>
    %dma_wait3A_694 = tpu.memref_squeeze %dma_wait3A_693 : memref<1x64x128xf32, #tpu.memory_space<vmem>> -> memref<64x128xf32, #tpu.memory_space<vmem>>
    %dma_wait3A_695 = arith.constant 0 : i32
    %dma_wait3A_696 = tpu.memref_slice %arg5[%add3A_470, %dma_wait3A_695] : memref<16384x128xf32, #tpu.memory_space<hbm>> -> memref<64x128xf32, #tpu.memory_space<hbm>>
    %dma_wait3A_697 = tpu.memref_slice %arg9[%dma_wait3A_690] : memref<8x!tpu.dma_semaphore, #tpu.memory_space<semaphore_mem>> -> memref<1x!tpu.dma_semaphore, #tpu.memory_space<semaphore_mem>>
    %dma_wait3A_698 = tpu.memref_squeeze %dma_wait3A_697 : memref<1x!tpu.dma_semaphore, #tpu.memory_space<semaphore_mem>> -> memref<!tpu.dma_semaphore, #tpu.memory_space<semaphore_mem>>
    %dma_wait3A_699 = arith.constant 0 : i32
    %dma_wait3A_700 = tpu.memref_slice %arg5[%add3A_470, %dma_wait3A_699] : memref<16384x128xf32, #tpu.memory_space<hbm>> -> memref<64x128xf32, #tpu.memory_space<hbm>>
    %dma_wait3A_701 = arith.constant 0 : i32
    %dma_wait3A_702 = arith.constant 0 : i32
    %dma_wait3A_703 = tpu.memref_slice %arg7[%dma_wait3A_689, %dma_wait3A_701, %dma_wait3A_702] : memref<8x64x128xf32, #tpu.memory_space<vmem>> -> memref<1x64x128xf32, #tpu.memory_space<vmem>>
    %dma_wait3A_704 = tpu.memref_squeeze %dma_wait3A_703 : memref<1x64x128xf32, #tpu.memory_space<vmem>> -> memref<64x128xf32, #tpu.memory_space<vmem>>
    tpu.wait_dma2 semaphore(%dma_wait3A_698 : memref<!tpu.dma_semaphore, #tpu.memory_space<semaphore_mem>>) src(%dma_wait3A_704 : memref<64x128xf32, #tpu.memory_space<vmem>>) dst(%dma_wait3A_700 : memref<64x128xf32, #tpu.memory_space<hbm>>)
    %dma_wait3A_705 = arith.constant 3 : i32
    %dma_wait3A_706 = arith.constant 3 : i32
    %dma_wait3A_707 = arith.constant 0 : i32
    %dma_wait3A_708 = arith.constant 0 : i32
    %dma_wait3A_709 = tpu.memref_slice %arg7[%dma_wait3A_705, %dma_wait3A_707, %dma_wait3A_708] : memref<8x64x128xf32, #tpu.memory_space<vmem>> -> memref<1x64x128xf32, #tpu.memory_space<vmem>>
    %dma_wait3A_710 = tpu.memref_squeeze %dma_wait3A_709 : memref<1x64x128xf32, #tpu.memory_space<vmem>> -> memref<64x128xf32, #tpu.memory_space<vmem>>
    %dma_wait3A_711 = arith.constant 0 : i32
    %dma_wait3A_712 = tpu.memref_slice %arg5[%add3A_504, %dma_wait3A_711] : memref<16384x128xf32, #tpu.memory_space<hbm>> -> memref<64x128xf32, #tpu.memory_space<hbm>>
    %dma_wait3A_713 = tpu.memref_slice %arg9[%dma_wait3A_706] : memref<8x!tpu.dma_semaphore, #tpu.memory_space<semaphore_mem>> -> memref<1x!tpu.dma_semaphore, #tpu.memory_space<semaphore_mem>>
    %dma_wait3A_714 = tpu.memref_squeeze %dma_wait3A_713 : memref<1x!tpu.dma_semaphore, #tpu.memory_space<semaphore_mem>> -> memref<!tpu.dma_semaphore, #tpu.memory_space<semaphore_mem>>
    %dma_wait3A_715 = arith.constant 0 : i32
    %dma_wait3A_716 = tpu.memref_slice %arg5[%add3A_504, %dma_wait3A_715] : memref<16384x128xf32, #tpu.memory_space<hbm>> -> memref<64x128xf32, #tpu.memory_space<hbm>>
    %dma_wait3A_717 = arith.constant 0 : i32
    %dma_wait3A_718 = arith.constant 0 : i32
    %dma_wait3A_719 = tpu.memref_slice %arg7[%dma_wait3A_705, %dma_wait3A_717, %dma_wait3A_718] : memref<8x64x128xf32, #tpu.memory_space<vmem>> -> memref<1x64x128xf32, #tpu.memory_space<vmem>>
    %dma_wait3A_720 = tpu.memref_squeeze %dma_wait3A_719 : memref<1x64x128xf32, #tpu.memory_space<vmem>> -> memref<64x128xf32, #tpu.memory_space<vmem>>
    tpu.wait_dma2 semaphore(%dma_wait3A_714 : memref<!tpu.dma_semaphore, #tpu.memory_space<semaphore_mem>>) src(%dma_wait3A_720 : memref<64x128xf32, #tpu.memory_space<vmem>>) dst(%dma_wait3A_716 : memref<64x128xf32, #tpu.memory_space<hbm>>)
    %dma_wait3A_721 = arith.constant 4 : i32
    %dma_wait3A_722 = arith.constant 4 : i32
    %dma_wait3A_723 = arith.constant 0 : i32
    %dma_wait3A_724 = arith.constant 0 : i32
    %dma_wait3A_725 = tpu.memref_slice %arg7[%dma_wait3A_721, %dma_wait3A_723, %dma_wait3A_724] : memref<8x64x128xf32, #tpu.memory_space<vmem>> -> memref<1x64x128xf32, #tpu.memory_space<vmem>>
    %dma_wait3A_726 = tpu.memref_squeeze %dma_wait3A_725 : memref<1x64x128xf32, #tpu.memory_space<vmem>> -> memref<64x128xf32, #tpu.memory_space<vmem>>
    %dma_wait3A_727 = arith.constant 0 : i32
    %dma_wait3A_728 = tpu.memref_slice %arg5[%add3A_538, %dma_wait3A_727] : memref<16384x128xf32, #tpu.memory_space<hbm>> -> memref<64x128xf32, #tpu.memory_space<hbm>>
    %dma_wait3A_729 = tpu.memref_slice %arg9[%dma_wait3A_722] : memref<8x!tpu.dma_semaphore, #tpu.memory_space<semaphore_mem>> -> memref<1x!tpu.dma_semaphore, #tpu.memory_space<semaphore_mem>>
    %dma_wait3A_730 = tpu.memref_squeeze %dma_wait3A_729 : memref<1x!tpu.dma_semaphore, #tpu.memory_space<semaphore_mem>> -> memref<!tpu.dma_semaphore, #tpu.memory_space<semaphore_mem>>
    %dma_wait3A_731 = arith.constant 0 : i32
    %dma_wait3A_732 = tpu.memref_slice %arg5[%add3A_538, %dma_wait3A_731] : memref<16384x128xf32, #tpu.memory_space<hbm>> -> memref<64x128xf32, #tpu.memory_space<hbm>>
    %dma_wait3A_733 = arith.constant 0 : i32
    %dma_wait3A_734 = arith.constant 0 : i32
    %dma_wait3A_735 = tpu.memref_slice %arg7[%dma_wait3A_721, %dma_wait3A_733, %dma_wait3A_734] : memref<8x64x128xf32, #tpu.memory_space<vmem>> -> memref<1x64x128xf32, #tpu.memory_space<vmem>>
    %dma_wait3A_736 = tpu.memref_squeeze %dma_wait3A_735 : memref<1x64x128xf32, #tpu.memory_space<vmem>> -> memref<64x128xf32, #tpu.memory_space<vmem>>
    tpu.wait_dma2 semaphore(%dma_wait3A_730 : memref<!tpu.dma_semaphore, #tpu.memory_space<semaphore_mem>>) src(%dma_wait3A_736 : memref<64x128xf32, #tpu.memory_space<vmem>>) dst(%dma_wait3A_732 : memref<64x128xf32, #tpu.memory_space<hbm>>)
    %dma_wait3A_737 = arith.constant 5 : i32
    %dma_wait3A_738 = arith.constant 5 : i32
    %dma_wait3A_739 = arith.constant 0 : i32
    %dma_wait3A_740 = arith.constant 0 : i32
    %dma_wait3A_741 = tpu.memref_slice %arg7[%dma_wait3A_737, %dma_wait3A_739, %dma_wait3A_740] : memref<8x64x128xf32, #tpu.memory_space<vmem>> -> memref<1x64x128xf32, #tpu.memory_space<vmem>>
    %dma_wait3A_742 = tpu.memref_squeeze %dma_wait3A_741 : memref<1x64x128xf32, #tpu.memory_space<vmem>> -> memref<64x128xf32, #tpu.memory_space<vmem>>
    %dma_wait3A_743 = arith.constant 0 : i32
    %dma_wait3A_744 = tpu.memref_slice %arg5[%add3A_572, %dma_wait3A_743] : memref<16384x128xf32, #tpu.memory_space<hbm>> -> memref<64x128xf32, #tpu.memory_space<hbm>>
    %dma_wait3A_745 = tpu.memref_slice %arg9[%dma_wait3A_738] : memref<8x!tpu.dma_semaphore, #tpu.memory_space<semaphore_mem>> -> memref<1x!tpu.dma_semaphore, #tpu.memory_space<semaphore_mem>>
    %dma_wait3A_746 = tpu.memref_squeeze %dma_wait3A_745 : memref<1x!tpu.dma_semaphore, #tpu.memory_space<semaphore_mem>> -> memref<!tpu.dma_semaphore, #tpu.memory_space<semaphore_mem>>
    %dma_wait3A_747 = arith.constant 0 : i32
    %dma_wait3A_748 = tpu.memref_slice %arg5[%add3A_572, %dma_wait3A_747] : memref<16384x128xf32, #tpu.memory_space<hbm>> -> memref<64x128xf32, #tpu.memory_space<hbm>>
    %dma_wait3A_749 = arith.constant 0 : i32
    %dma_wait3A_750 = arith.constant 0 : i32
    %dma_wait3A_751 = tpu.memref_slice %arg7[%dma_wait3A_737, %dma_wait3A_749, %dma_wait3A_750] : memref<8x64x128xf32, #tpu.memory_space<vmem>> -> memref<1x64x128xf32, #tpu.memory_space<vmem>>
    %dma_wait3A_752 = tpu.memref_squeeze %dma_wait3A_751 : memref<1x64x128xf32, #tpu.memory_space<vmem>> -> memref<64x128xf32, #tpu.memory_space<vmem>>
    tpu.wait_dma2 semaphore(%dma_wait3A_746 : memref<!tpu.dma_semaphore, #tpu.memory_space<semaphore_mem>>) src(%dma_wait3A_752 : memref<64x128xf32, #tpu.memory_space<vmem>>) dst(%dma_wait3A_748 : memref<64x128xf32, #tpu.memory_space<hbm>>)
    %dma_wait3A_753 = arith.constant 6 : i32
    %dma_wait3A_754 = arith.constant 6 : i32
    %dma_wait3A_755 = arith.constant 0 : i32
    %dma_wait3A_756 = arith.constant 0 : i32
    %dma_wait3A_757 = tpu.memref_slice %arg7[%dma_wait3A_753, %dma_wait3A_755, %dma_wait3A_756] : memref<8x64x128xf32, #tpu.memory_space<vmem>> -> memref<1x64x128xf32, #tpu.memory_space<vmem>>
    %dma_wait3A_758 = tpu.memref_squeeze %dma_wait3A_757 : memref<1x64x128xf32, #tpu.memory_space<vmem>> -> memref<64x128xf32, #tpu.memory_space<vmem>>
    %dma_wait3A_759 = arith.constant 0 : i32
    %dma_wait3A_760 = tpu.memref_slice %arg5[%add3A_606, %dma_wait3A_759] : memref<16384x128xf32, #tpu.memory_space<hbm>> -> memref<64x128xf32, #tpu.memory_space<hbm>>
    %dma_wait3A_761 = tpu.memref_slice %arg9[%dma_wait3A_754] : memref<8x!tpu.dma_semaphore, #tpu.memory_space<semaphore_mem>> -> memref<1x!tpu.dma_semaphore, #tpu.memory_space<semaphore_mem>>
    %dma_wait3A_762 = tpu.memref_squeeze %dma_wait3A_761 : memref<1x!tpu.dma_semaphore, #tpu.memory_space<semaphore_mem>> -> memref<!tpu.dma_semaphore, #tpu.memory_space<semaphore_mem>>
    %dma_wait3A_763 = arith.constant 0 : i32
    %dma_wait3A_764 = tpu.memref_slice %arg5[%add3A_606, %dma_wait3A_763] : memref<16384x128xf32, #tpu.memory_space<hbm>> -> memref<64x128xf32, #tpu.memory_space<hbm>>
    %dma_wait3A_765 = arith.constant 0 : i32
    %dma_wait3A_766 = arith.constant 0 : i32
    %dma_wait3A_767 = tpu.memref_slice %arg7[%dma_wait3A_753, %dma_wait3A_765, %dma_wait3A_766] : memref<8x64x128xf32, #tpu.memory_space<vmem>> -> memref<1x64x128xf32, #tpu.memory_space<vmem>>
    %dma_wait3A_768 = tpu.memref_squeeze %dma_wait3A_767 : memref<1x64x128xf32, #tpu.memory_space<vmem>> -> memref<64x128xf32, #tpu.memory_space<vmem>>
    tpu.wait_dma2 semaphore(%dma_wait3A_762 : memref<!tpu.dma_semaphore, #tpu.memory_space<semaphore_mem>>) src(%dma_wait3A_768 : memref<64x128xf32, #tpu.memory_space<vmem>>) dst(%dma_wait3A_764 : memref<64x128xf32, #tpu.memory_space<hbm>>)
    %dma_wait3A_769 = arith.constant 7 : i32
    %dma_wait3A_770 = arith.constant 7 : i32
    %dma_wait3A_771 = arith.constant 0 : i32
    %dma_wait3A_772 = arith.constant 0 : i32
    %dma_wait3A_773 = tpu.memref_slice %arg7[%dma_wait3A_769, %dma_wait3A_771, %dma_wait3A_772] : memref<8x64x128xf32, #tpu.memory_space<vmem>> -> memref<1x64x128xf32, #tpu.memory_space<vmem>>
    %dma_wait3A_774 = tpu.memref_squeeze %dma_wait3A_773 : memref<1x64x128xf32, #tpu.memory_space<vmem>> -> memref<64x128xf32, #tpu.memory_space<vmem>>
    %dma_wait3A_775 = arith.constant 0 : i32
    %dma_wait3A_776 = tpu.memref_slice %arg5[%add3A_640, %dma_wait3A_775] : memref<16384x128xf32, #tpu.memory_space<hbm>> -> memref<64x128xf32, #tpu.memory_space<hbm>>
    %dma_wait3A_777 = tpu.memref_slice %arg9[%dma_wait3A_770] : memref<8x!tpu.dma_semaphore, #tpu.memory_space<semaphore_mem>> -> memref<1x!tpu.dma_semaphore, #tpu.memory_space<semaphore_mem>>
    %dma_wait3A_778 = tpu.memref_squeeze %dma_wait3A_777 : memref<1x!tpu.dma_semaphore, #tpu.memory_space<semaphore_mem>> -> memref<!tpu.dma_semaphore, #tpu.memory_space<semaphore_mem>>
    %dma_wait3A_779 = arith.constant 0 : i32
    %dma_wait3A_780 = tpu.memref_slice %arg5[%add3A_640, %dma_wait3A_779] : memref<16384x128xf32, #tpu.memory_space<hbm>> -> memref<64x128xf32, #tpu.memory_space<hbm>>
    %dma_wait3A_781 = arith.constant 0 : i32
    %dma_wait3A_782 = arith.constant 0 : i32
    %dma_wait3A_783 = tpu.memref_slice %arg7[%dma_wait3A_769, %dma_wait3A_781, %dma_wait3A_782] : memref<8x64x128xf32, #tpu.memory_space<vmem>> -> memref<1x64x128xf32, #tpu.memory_space<vmem>>
    %dma_wait3A_784 = tpu.memref_squeeze %dma_wait3A_783 : memref<1x64x128xf32, #tpu.memory_space<vmem>> -> memref<64x128xf32, #tpu.memory_space<vmem>>
    tpu.wait_dma2 semaphore(%dma_wait3A_778 : memref<!tpu.dma_semaphore, #tpu.memory_space<semaphore_mem>>) src(%dma_wait3A_784 : memref<64x128xf32, #tpu.memory_space<vmem>>) dst(%dma_wait3A_780 : memref<64x128xf32, #tpu.memory_space<hbm>>)
    return
  }
}

</mosaic_0001>

<sc_bundles>
// kernel: kernel.3.cloned.1.call-start
scs
__scs_entry_jumppad:
0x0: {  	(pc) =	sbr.rel $0x88, $3  }
0x1: {  	(tag) =	ssettag $0x0;
	lr =	simm.s32 $0x1  }
0x2: {  	[smem:$0x3F9E] =	sst lr;
	_ =	strace $0xD0000000  }
0x3: {  	_ = 	snop  }
0x4: {  	_ = 	snop  }
0x5: {  	_ = 	snop  }
0x6: {  	_ = 	snop  }
0x7: {  	_ = 	snop  }
__scs_overlays_trampoline_lowered:
0x8: {  	[smem:$0x3FAD] =	sst s0  }
0x9: {  	[smem:$0x3FAE] =	sst s1  }
0xa: {  	[smem:$0x3FAF] =	sst s2  }
0xb: {  	[smem:$0x3FB0] =	sst s3  }
0xc: {  	[smem:$0x3FB1] =	sst s4  }
0xd: {  	[smem:$0x3FB2] =	sst s5  }
0xe: {  	[smem:$0x3FB3] =	sst s6  }
0xf: {  	[smem:$0x3FB4] =	sst s7  }
0x10: {  	[smem:$0x3FB5] =	sst s8  }
0x11: {  	[smem:$0x3FB6] =	sst s9;
	s0 =	simm.s32 @!p0 $0x0  }
0x12: {  	s1 =	sld [smem:$0x3F9C];
	s0 =	simm.s32 @p0 $0x1  }
0x13: {  	[smem:$0x3FB7] =	sst s0;
	s0 =	simm.s32 @!p1 $0x0  }
0x14: {  	s2 =	sld [smem:$0x3F9B];
	s0 =	simm.s32 @p1 $0x1  }
0x15: {  	[smem:$0x3FB8] =	sst s0;
	s0 =	simm.s32 @!p2 $0x0  }
0x16: {  	s3 =	sld [smem:$0x3FDB];
	s0 =	simm.s32 @p2 $0x1  }
0x17: {  	s4 =	simm.s32 $0x1BF5;
	[smem:$0x3FBA] =	sst s0  }
0x18: {  	s0 =	sld [smem:$0x3F9D];
	_ =	swait.ge [sflag:s4], $0x0  }
0x19: {  	s7 =	sld [smem:$0x3F9E]  }
0x1a: {  	s8 =	sadd.s32 $0xFFFFE003, lr  }
0x1b: {  	s9 =	sadd.s32 $0xFFFFFEF7, lr;
	s5 =	simm.s32 $0xFFFFFFFF;
	p2 =	slt.u32 s8, $0xFFFFF086  }
0x1c: {  	p1 =	slt.u32 s9, $0xF7A;
	s5 =	simm.s32 @!p2 $0x0  }
0x1d: {  	s5 =	simm.s32 @p1 $0x1;
	p0 =	seq.s32 s7, s2  }
0x1e: {  	s7 =	smul.u32 @!p0 $0xF7A, s2;
	p2 =	seq.s32 @!p0 s5, $0x0  }
0x1f: {  	s9 =	smul.u32 $0xF7A, s1;
	s8 =	simm.s32 @!p0 $0x1BF5;
	p2 =	por !p2, p0  }
0x20: {  	[sflag:s8] =	ssyncset.s32 @!p0 $0xFFFFF086;
	s6 =	sadd.s32 @!p0 s3, s7;
	s7 =	simm.s32 @!p0 $0x108  }
0x21: {  	s3 =	sadd.s32 s3, s9;
	s6 =	sadd.s32 @!p0 $0x88, s6;
	s7 =	simm.s32 @p2 $0x1082  }
0x22: {  	[simem:s7], [sflag:s8] =	dma.local @!p0 [hbm:s6], $0xF7A  }
0x23: {  	s9 =	sor.u32 $0xD0000000, s2;
	s6 =	simm.s32 $0x108;
	_ =	swait.ge @!p0 [sflag:s8], $0x0  }
0x24: {  	s3 =	sadd.s32 $0x88, s3;
	s6 =	simm.s32 @!p1 $0x1082;
	[sflag:s4] =	ssyncset.s32 $0xFFFFF086  }
0x25: {  	[simem:s6], [sflag:s4] =	dma.local [hbm:s3], $0xF7A  }
0x26: {  	[smem:$0x3F9E] =	sst s1;
	(tag) =	ssettag s2;
	_ =	strace s9  }
0x27: {  	s1 =	sld [smem:$0x3FAE]  }
0x28: {  	s2 =	sld [smem:$0x3FAF]  }
0x29: {  	s4 =	sld [smem:$0x3FB1]  }
0x2a: {  	p0 =	seq.s32 s5, $0x0;
	s5 =	sld [smem:$0x3FB2]  }
0x2b: {  	s6 =	sld [smem:$0x3FB3]  }
0x2c: {  	s7 =	sld [smem:$0x3FB4]  }
0x2d: {  	s3 =	simm.s32 $0x108;
	s8 =	sld [smem:$0x3FB5]  }
0x2e: {  	s3 =	simm.s32 @!p0 $0x1082;
	s9 =	sld [smem:$0x3FB6]  }
0x2f: {  	lr =	sadd.s32 s0, s3;
	s0 =	sld [smem:$0x3FAD]  }
0x30: {  	s3 =	sld [smem:$0x3FB0]  }
0x31: {  	[smem:$0x3FB9] =	sst s10  }
0x32: {  	s10 =	sld [smem:$0x3FB7];
	_ =	sdelay $0x3  }
0x33: {  	p0 =	seq.s32 s10, $0x1;
	s10 =	sld [smem:$0x3FB9];
	_ =	sdelay $0x3  }
0x34: {  	[smem:$0x3FB9] =	sst s10  }
0x35: {  	s10 =	sld [smem:$0x3FB8];
	_ =	sdelay $0x3  }
0x36: {  	p1 =	seq.s32 s10, $0x1;
	s10 =	sld [smem:$0x3FB9];
	_ =	sdelay $0x3  }
0x37: {  	[smem:$0x3FB9] =	sst s10  }
0x38: {  	s10 =	sld [smem:$0x3FBA]  }
0x39: {  	_ = 	snop;
	(pc) =	sbr.ind lr, $3  }
0x3a: {  	_ = 	snop  }
0x3b: {  	_ = 	snop  }
0x3c: {  	p2 =	seq.s32 s10, $0x1;
	s10 =	sld [smem:$0x3FB9]  }
0x3d: {  	_ =	shalt  }
0x3e: {  	_ =	shalt  }
0x3f: {  	_ =	shalt  }
0x40: {  	_ =	shalt  }
0x41: {  	_ =	shalt  }
0x42: {  	_ =	shalt  }
0x43: {  	_ =	shalt  }
0x44: {  	_ =	shalt  }
0x45: {  	_ =	shalt  }
0x46: {  	_ =	shalt  }
0x47: {  	_ =	shalt  }
0x48: {  	_ =	shalt  }
0x49: {  	_ =	shalt  }
0x4a: {  	_ =	shalt  }
0x4b: {  	_ =	shalt  }
0x4c: {  	_ =	shalt  }
0x4d: {  	_ =	shalt  }
0x4e: {  	_ =	shalt  }
0x4f: {  	_ =	shalt  }
0x50: {  	_ =	shalt  }
0x51: {  	_ =	shalt  }
0x52: {  	_ =	shalt  }
0x53: {  	_ =	shalt  }
0x54: {  	_ =	shalt  }
0x55: {  	_ =	shalt  }
0x56: {  	_ =	shalt  }
0x57: {  	_ =	shalt  }
0x58: {  	_ =	shalt  }
0x59: {  	_ =	shalt  }
0x5a: {  	_ =	shalt  }
0x5b: {  	_ =	shalt  }
0x5c: {  	_ =	shalt  }
0x5d: {  	_ =	shalt  }
0x5e: {  	_ =	shalt  }
0x5f: {  	_ =	shalt  }
0x60: {  	_ =	shalt  }
0x61: {  	_ =	shalt  }
0x62: {  	_ =	shalt  }
0x63: {  	_ =	shalt  }
0x64: {  	_ =	shalt  }
0x65: {  	_ =	shalt  }
0x66: {  	_ =	shalt  }
0x67: {  	_ =	shalt  }
0x68: {  	_ =	shalt  }
0x69: {  	_ =	shalt  }
0x6a: {  	_ =	shalt  }
0x6b: {  	_ =	shalt  }
0x6c: {  	_ =	shalt  }
0x6d: {  	_ =	shalt  }
0x6e: {  	_ =	shalt  }
0x6f: {  	_ =	shalt  }
0x70: {  	_ =	shalt  }
0x71: {  	_ =	shalt  }
0x72: {  	_ =	shalt  }
0x73: {  	_ =	shalt  }
0x74: {  	_ =	shalt  }
0x75: {  	_ =	shalt  }
0x76: {  	_ =	shalt  }
0x77: {  	_ =	shalt  }
0x78: {  	_ =	shalt  }
0x79: {  	_ =	shalt  }
0x7a: {  	_ =	shalt  }
0x7b: {  	_ =	shalt  }
0x7c: {  	_ =	shalt  }
0x7d: {  	_ =	shalt  }
0x7e: {  	_ =	shalt  }
0x7f: {  	_ =	shalt  }
0x80: {  	_ =	shalt  }
0x81: {  	_ =	shalt  }
0x82: {  	_ =	shalt  }
0x83: {  	_ =	shalt  }
0x84: {  	_ =	shalt  }
0x85: {  	_ =	shalt  }
0x86: {  	_ =	shalt  }
0x87: {  	_ =	shalt  }
.Lfunc_end0:
.L_simem_size_0:
called_computation_lowered:
.L_overlay_start_0:
0x88: {  	s2 =	sld [smem:$0x3FD9]  }
0x89: {  	s3 =	sld [smem:$0x3FFE];
	_ =	sdelay $0x1  }
0x8a: {  	s1 =	srdreg.scid  }
0x8b: {  	s0 =	sand.u32 $0x1, s1  }
0x8c: {  	s17 =	sshll.u32 s0, $0xA;
	s2 =	sadd.s32 s3, s2  }
0x8d: {  	s2 =	sadd.s32 s2, s17  }
0x8e: {  	[smem:$0x3FC5] =	sst s2  }
0x8f: {  	_ = 	snop  }
0x90: {  	s2 =	sld [smem:$0x3FC8]  }
0x91: {  	s18 =	sld [smem:$0x3FC7]  }
0x92: {  	s4 =	sld [smem:$0x3FD0];
	(tm) =	ssettm $0x1  }
0x93: {  	s5 =	sld [smem:$0x3FFB];
	_ =	sdelay $0x3  }
0x94: {  	_ =	strace s5  }
0x95: {  	s5 =	sld [smem:$0x3FFC];
	_ =	sdelay $0x3  }
0x96: {  	_ =	strace s5  }
0x97: {  	s5 =	sld [smem:$0x3FFD];
	_ =	sdelay $0x3  }
0x98: {  	_ =	strace s5  }
0x99: {  	_ =	strace $0x8FFFFFFF  }
0x9a: {  	s19 =	sld [smem:$0x3FDB];
	_ =	sdelay $0x1  }
0x9b: {  	s6 =	simm.s32 $_scs_section_size  }
0x9c: {  	s7 =	simm.s32 $_size__tile_overlayer_lowered;
	s8 =	simm.s32 $_tile_overlayer_lowered  }
0x9d: {  	s22 =	simm.s32 $0x1BFF;
	s21 =	sshll.u32 s8, $0x1;
	s5 =	sadd.s32 s6, s19  }
0x9e: {  	s9 =	simm.s32 $0x0;
	s20 =	sshll.u32 s7, $0x1;
	s7 =	sadd.s32 s21, s5  }
0x9f: {  	[timem:s9], [sflag:s22] =	dma.local [hbm:s7], s20  }
0xa0: {  	_ =	swait.ge [sflag:s22], s20  }
0xa1: {  	s6 =	ssub.s32 $0x0, s20;
	[sflag:s22] =	ssyncset.done $0x0  }
0xa2: {  	[sflag:s22] =	ssyncadd.s32 s6;
	_ =	sdelay $0x1  }
0xa3: {  	s23 =	simm.s32 $0x1B8B  }
0xa4: {  	_ =	swait.ge [sflag:s23], $0x1  }
0xa5: {  	[sflag:s23] =	ssyncset.done $0x0  }
0xa6: {  	s25 =	simm.s32 $0x1B8E;
	s24 =	sld [smem:$0x3FFE];
	[sflag:s23] =	ssyncadd.s32 $0xFFFFFFFF  }
0xa7: {  	s26 =	simm.s32 $execute0_lowered;
	[smem:$0x3FD2] =	sst s25  }
0xa8: {  	s7 =	sshll.u32 s26, $0x1;
	_ =	strace $0x80000046;
	[dreg:$0x1] =	wrdreg $0xFFFFFFFF  }
0xa9: {  	s28 =	simm.s32 $_size_execute0_lowered;
	s5 =	sadd.s32 s5, s7;
	[dreg:$0x0] =	wrdreg $0x0  }
0xaa: {  	s7 =	sshll.u32 s28, $0x1;
	[dreg:$0x2] =	wrdreg s5  }
0xab: {  	[dreg:$0x3] =	wrdreg s7  }
0xac: {  	[dreg:$0x4] =	wrdreg $0xC0  }
0xad: {  	_ =	task [dreg:s9], $0x5FFFF  }
0xae: {  	[dreg:$0x1] =	wrdreg $0xFFFFFFFF  }
0xaf: {  	[dreg:$0x0] =	wrdreg $0x60  }
0xb0: {  	[dreg:$0x2] =	wrdreg s24  }
0xb1: {  	[dreg:$0x3] =	wrdreg s2  }
0xb2: {  	[dreg:$0x4] =	wrdreg s18  }
0xb3: {  	[dreg:$0x5] =	wrdreg s4  }
0xb4: {  	[dreg:$0x6] =	wrdreg $0x9  }
0xb5: {  	_ =	task.clear_ibuf [dreg:s9], $0x7FFFF;
	_ =	strace $0x90000046  }
0xb6: {  	s29 =	simm.s32 $0x9;
	_ =	strace $0x80000048  }
0xb7: {  	_ =	swait.ge [sflag:s29], $0x1  }
0xb8: {  	[sflag:s29] =	ssyncadd.s32 $0xFFFFFFFF  }
0xb9: {  	_ =	strace $0x90000048  }
0xba: {  	_ =	sfence  }
0xbb: {  	s30 =	sld [smem:$0x0];
	_ =	sdelay $0x2  }
0xbc: {  	s31 =	sshll.u32 s1, $0xD;
	s1 =	sshrl.u32 s1, $0x2  }
0xbd: {  	s3 =	sand.u32 $0x4000, s31;
	s1 =	sadd.s32 s1, s30  }
0xbe: {  	s0 =	sor.u32 s3, s0;
	s1 =	sshll.u32 s1, $0x11  }
0xbf: {  	s0 =	sor.u32 s1, s0  }
0xc0: {  	s0 =	sadd.s32 $0x8F2B, s0  }
0xc1: {  	[sflag:s0] =	ssyncadd.remote.s32 $0x1  }
0xc2: {  	_ =	sfence.sel $0xFFFF  }
0xc3: {  	[dreg:$0x0] =	wrdreg $0xFFFFFFFF;
	(pc) =	sbr.abs _section_cstart, $3  }
0xc4: {  	[dreg:$0x1] =	wrdreg $0xFFFFFFFF  }
0xc5: {  	_ =	task.clear_ibuf [dreg:s9], $0x2FFFF;
	_ =	strace $0x9FFFFFFF  }
0xc6: {  	(tm) =	ssettm $0x7FFFFFFF  }
0xc7: {  	_ =	shalt  }
tec
execute0_lowered:
.L_overlay_start_1:
0x0: {  	(tag) =	ssettag $0x1  }
0x1: {  	s0 =	rddreg [dreg:$0x0]  }
0x2: {  	s19 =	rddreg [dreg:$0x1];
	s1 =	srdreg.scid  }
0x3: {  	s2 =	stileid.u32;
	s3 =	rddreg [dreg:$0x2]  }
0x4: {  	s4 =	rddreg [dreg:$0x3];
	s1 =	sand.u32 $0x1, s1;
	s2 =	sshll.u32 s2, $0x1  }
0x5: {  	s25 =	simm.s32 $0x80;
	s5 =	sor.u32 s1, s2;
	s2 =	simm.s32 $0x0  }
0x6: {  	s14 =	simm.s32 $0x800;
	s26 =	simm.s32 $0x100;
	[smem:$0x7FF] =	sst s2  }
0x7: {  	s12 =	simm.s32 $0x2800;
	_ =	strace $0x80000047;
	[dreg:$0xd] =	wrdreg s25  }
0x8: {  	s7 =	simm.s32 $0x200;
	s8 =	simm.s32 $0x280;
	[dreg:$0xe] =	wrdreg s26  }
0x9: {  	s9 =	simm.s32 $0x300;
	s10 =	simm.s32 $0x380;
	[dreg:$0x10] =	wrdreg s7  }
0xa: {  	s11 =	simm.s32 $0x400;
	s13 =	simm.s32 $0x480;
	[dreg:$0x11] =	wrdreg s8  }
0xb: {  	s31 =	simm.s32 $0x1;
	s15 =	simm.s32 $0x500;
	[dreg:$0x12] =	wrdreg s9  }
0xc: {  	s30 =	simm.s32 $0x2;
	s29 =	simm.s32 $0x3;
	[dreg:$0x13] =	wrdreg s10  }
0xd: {  	s1 =	ssub.s32 $0x2, s1;
	s6 =	sshll.u32 s5, $0x8;
	[dreg:$0x14] =	wrdreg s11  }
0xe: {  	s5 =	sshll.u32 s5, $0xD;
	s22 =	sshrl.u32 s1, $0x1;
	[dreg:$0x15] =	wrdreg s13  }
0xf: {  	s0 =	sadd.s32 s6, s0;
	s6 =	simm.s32 $0x180;
	[dreg:$0x16] =	wrdreg s15  }
0x10: {  	s1 =	ssub.s32 s1, s22;
	s22 =	simm.s32 $0x780;
	[dreg:$0xf] =	wrdreg s6  }
0x11: {  	s5 =	sadd.s32 s4, s5;
	s0 =	sadd.s32 $0x400, s0;
	[dreg:$0x1b] =	wrdreg s22  }
0x12: {  	s28 =	simm.s32 $0x4;
	s16 =	sadd.s32 $0x400, s5;
	[dreg:$0x5] =	wrdreg s0  }
0x13: {  	p0 =	por $0x0, $0x0;
	s17 =	sadd.s32 $0x800, s5;
	[dreg:$0x6] =	wrdreg s16  }
0x14: {  	s26 =	simm.s32 $0x5;
	s18 =	sadd.s32 $0xC00, s5;
	[dreg:$0x7] =	wrdreg s17  }
0x15: {  	s25 =	simm.s32 $0x6;
	s20 =	sadd.s32 $0x1000, s5;
	[dreg:$0x8] =	wrdreg s18  }
0x16: {  	s15 =	simm.s32 $0xE;
	s21 =	sadd.s32 $0x1400, s5;
	[dreg:$0x9] =	wrdreg s20  }
0x17: {  	s13 =	simm.s32 $0xF;
	s23 =	sadd.s32 $0x1800, s5;
	[dreg:$0xa] =	wrdreg s21  }
0x18: {  	s24 =	sadd.s32 $0x1C00, s5;
	s6 =	simm.s32 $0xE800;
	[dreg:$0xb] =	wrdreg s23  }
0x19: {  	s22 =	simm.s32 $0xA;
	[dreg:$0xc] =	wrdreg s24;
	s0 =	smax.u32 s1, $0x1  }
0x1a: {  	s1 =	simm.s32 $0x11;
	s16 =	simm.s32 $0x40;
	s17 =	simm.s32 $0x580  }
0x1b: {  	s18 =	simm.s32 $0x600;
	[dreg:$0x17] =	wrdreg s17;
	p1 =	sne.s32 s0, $0x1  }
.Ltmp0:
0x1c: {  	s20 =	simm.s32 $0x680;
	[dreg:$0x18] =	wrdreg s18;
	(pc) =	sbr.rel @!p1 .LBB2_5-.Ltmp0, $4  }
0x1d: {  	s21 =	simm.s32 $0x700;
	s24 =	simm.s32 $0x7;
	[dreg:$0x19] =	wrdreg s20  }
0x1e: {  	s23 =	simm.s32 $0x8;
	[dreg:$0x1a] =	wrdreg s21;
	s21 =	simm.s32 $0x9  }
0x1f: {  	s7 =	sadd.s32 $0xFFFFFFFF, s0;
	s20 =	simm.s32 $0xB;
	s18 =	simm.s32 $0xC  }
0x20: {  	s17 =	simm.s32 $0xD;
	s0 =	simm.s32 $0x10;
	s4 =	rddreg [dreg:$0x5]  }
0x21: {  	[tilespmem:s2], [sflag:$0x11] =	stream.linear.gather [hbm4b:s4+s2], $0x800, $0x38;
	[tilespmem:$0x10800] =	vst v63  }
0x22: {  	_ =	swait.ge [sflag:s1], $0x800  }
0x23: {  	[sflag:s1] =	ssyncset.done $0x0  }
0x24: {  	[sflag:s1] =	ssyncadd.s32 $0xFFFFF800  }
0x25: {  	[tilespmem:s14], [sflag:$0x1] =	stream.indirect.gather [hbm4b:s19+s16], $0x80, s2, s16, $0xb8;
	[tilespmem:$0x10800] =	vst v63  }
0x26: {  	s13 =	rddreg [dreg:$0xd];
	s14 =	simm.s32 $0x2800  }
0x27: {  	[tilespmem:s14], [sflag:$0x2] =	stream.indirect.gather [hbm4b:s19+s16], $0x80, s13, s16, $0xb8;
	[tilespmem:$0x10800] =	vst v63  }
0x28: {  	s10 =	simm.s32 $0x4800;
	s0 =	rddreg [dreg:$0xe]  }
0x29: {  	[tilespmem:s10], [sflag:$0x3] =	stream.indirect.gather [hbm4b:s19+s16], $0x80, s0, s16, $0xb8;
	[tilespmem:$0x10800] =	vst v63  }
0x2a: {  	s9 =	simm.s32 $0x6800;
	s8 =	rddreg [dreg:$0xf]  }
0x2b: {  	[tilespmem:s9], [sflag:$0x4] =	stream.indirect.gather [hbm4b:s19+s16], $0x80, s8, s16, $0xb8;
	[tilespmem:$0x10800] =	vst v63  }
0x2c: {  	s12 =	rddreg [dreg:$0x10];
	s8 =	simm.s32 $0x8800  }
0x2d: {  	[tilespmem:s8], [sflag:$0x5] =	stream.indirect.gather [hbm4b:s19+s16], $0x80, s12, s16, $0xb8;
	[tilespmem:$0x10800] =	vst v63  }
0x2e: {  	s13 =	rddreg [dreg:$0x11];
	s12 =	simm.s32 $0xA800  }
0x2f: {  	[tilespmem:s12], [sflag:$0x6] =	stream.indirect.gather [hbm4b:s19+s16], $0x80, s13, s16, $0xb8;
	[tilespmem:$0x10800] =	vst v63  }
0x30: {  	s0 =	rddreg [dreg:$0x12];
	s13 =	simm.s32 $0xC800  }
0x31: {  	[tilespmem:s13], [sflag:$0x7] =	stream.indirect.gather [hbm4b:s19+s16], $0x80, s0, s16, $0xb8;
	[tilespmem:$0x10800] =	vst v63  }
0x32: {  	s4 =	rddreg [dreg:$0x13]  }
0x33: {  	[tilespmem:s6], [sflag:$0x8] =	stream.indirect.gather [hbm4b:s19+s16], $0x80, s4, s16, $0xb8;
	[tilespmem:$0x10800] =	vst v63  }
0x34: {  	_ =	swait.ge [sflag:s31], $0x2000  }
0x35: {  	[sflag:s31] =	ssyncset.done $0x0  }
0x36: {  	s15 =	simm.s32 $0x800;
	s4 =	rddreg [dreg:$0x14];
	[sflag:s31] =	ssyncadd.s32 $0xFFFFE000  }
0x37: {  	[tilespmem:s15], [sflag:$0x1] =	stream.indirect.gather.add.f32 [hbm:s3], $0x80, s4, s16, $0xb8;
	[tilespmem:$0x10800] =	vst v63  }
0x38: {  	_ =	swait.ge [sflag:s30], $0x2000  }
0x39: {  	[sflag:s30] =	ssyncset.done $0x0  }
0x3a: {  	s4 =	rddreg [dreg:$0x15];
	[sflag:s30] =	ssyncadd.s32 $0xFFFFE000  }
0x3b: {  	[tilespmem:s14], [sflag:$0x2] =	stream.indirect.gather.add.f32 [hbm:s3], $0x80, s4, s16, $0xb8;
	[tilespmem:$0x10800] =	vst v63  }
0x3c: {  	_ =	swait.ge [sflag:s29], $0x2000  }
0x3d: {  	[sflag:s29] =	ssyncset.done $0x0  }
0x3e: {  	s4 =	rddreg [dreg:$0x16];
	[sflag:s29] =	ssyncadd.s32 $0xFFFFE000  }
0x3f: {  	[tilespmem:s10], [sflag:$0x3] =	stream.indirect.gather.add.f32 [hbm:s3], $0x80, s4, s16, $0xb8;
	[tilespmem:$0x10800] =	vst v63  }
0x40: {  	_ =	swait.ge [sflag:s28], $0x2000  }
0x41: {  	[sflag:s28] =	ssyncset.done $0x0  }
0x42: {  	s4 =	rddreg [dreg:$0x17];
	[sflag:s28] =	ssyncadd.s32 $0xFFFFE000  }
0x43: {  	[tilespmem:s9], [sflag:$0x4] =	stream.indirect.gather.add.f32 [hbm:s3], $0x80, s4, s16, $0xb8;
	[tilespmem:$0x10800] =	vst v63  }
0x44: {  	_ =	swait.ge [sflag:s26], $0x2000  }
0x45: {  	[sflag:s26] =	ssyncset.done $0x0  }
0x46: {  	s4 =	rddreg [dreg:$0x18];
	[sflag:s26] =	ssyncadd.s32 $0xFFFFE000  }
0x47: {  	[tilespmem:s8], [sflag:$0x5] =	stream.indirect.gather.add.f32 [hbm:s3], $0x80, s4, s16, $0xb8;
	[tilespmem:$0x10800] =	vst v63  }
0x48: {  	_ =	swait.ge [sflag:s25], $0x2000  }
0x49: {  	[sflag:s25] =	ssyncset.done $0x0  }
0x4a: {  	s4 =	rddreg [dreg:$0x19];
	[sflag:s25] =	ssyncadd.s32 $0xFFFFE000  }
0x4b: {  	[tilespmem:s12], [sflag:$0x6] =	stream.indirect.gather.add.f32 [hbm:s3], $0x80, s4, s16, $0xb8;
	[tilespmem:$0x10800] =	vst v63  }
0x4c: {  	_ =	swait.ge [sflag:s24], $0x2000  }
0x4d: {  	[sflag:s24] =	ssyncset.done $0x0  }
0x4e: {  	s4 =	rddreg [dreg:$0x1a];
	[sflag:s24] =	ssyncadd.s32 $0xFFFFE000  }
0x4f: {  	[tilespmem:s13], [sflag:$0x7] =	stream.indirect.gather.add.f32 [hbm:s3], $0x80, s4, s16, $0xb8;
	[tilespmem:$0x10800] =	vst v63  }
0x50: {  	_ =	swait.ge [sflag:s23], $0x2000  }
0x51: {  	[sflag:s23] =	ssyncset.done $0x0  }
0x52: {  	s4 =	rddreg [dreg:$0x1b];
	[sflag:s23] =	ssyncadd.s32 $0xFFFFE000  }
0x53: {  	[tilespmem:s6], [sflag:$0x8] =	stream.indirect.gather.add.f32 [hbm:s3], $0x80, s4, s16, $0xb8;
	[tilespmem:$0x10800] =	vst v63  }
0x54: {  	_ =	swait.ge [sflag:s31], $0x2000  }
0x55: {  	[sflag:s31] =	ssyncset.done $0x0  }
0x56: {  	[sflag:s31] =	ssyncadd.s32 $0xFFFFE000  }
0x57: {  	[hbm4b:s5+s2] =	stream.linear.scatter [tilespmem:s15], [sflag:$0x9], $0x2000, $0x38;
	[tilespmem:$0x10800] =	vst v63  }
0x58: {  	_ =	swait.ge [sflag:s30], $0x2000  }
0x59: {  	[sflag:s30] =	ssyncset.done $0x0  }
0x5a: {  	s4 =	rddreg [dreg:$0x6];
	[sflag:s30] =	ssyncadd.s32 $0xFFFFE000  }
0x5b: {  	[hbm4b:s4+s2] =	stream.linear.scatter [tilespmem:s14], [sflag:$0xA], $0x2000, $0x38;
	[tilespmem:$0x10800] =	vst v63  }
0x5c: {  	_ =	swait.ge [sflag:s29], $0x2000  }
0x5d: {  	[sflag:s29] =	ssyncset.done $0x0  }
0x5e: {  	s4 =	rddreg [dreg:$0x7];
	[sflag:s29] =	ssyncadd.s32 $0xFFFFE000  }
0x5f: {  	[hbm4b:s4+s2] =	stream.linear.scatter [tilespmem:s10], [sflag:$0xB], $0x2000, $0x38;
	[tilespmem:$0x10800] =	vst v63  }
0x60: {  	_ =	swait.ge [sflag:s28], $0x2000  }
0x61: {  	[sflag:s28] =	ssyncset.done $0x0  }
0x62: {  	s14 =	rddreg [dreg:$0x8];
	[sflag:s28] =	ssyncadd.s32 $0xFFFFE000  }
0x63: {  	[hbm4b:s14+s2] =	stream.linear.scatter [tilespmem:s9], [sflag:$0xC], $0x2000, $0x38;
	[tilespmem:$0x10800] =	vst v63  }
0x64: {  	_ =	swait.ge [sflag:s26], $0x2000  }
0x65: {  	[sflag:s26] =	ssyncset.done $0x0  }
0x66: {  	s4 =	rddreg [dreg:$0x9];
	[sflag:s26] =	ssyncadd.s32 $0xFFFFE000  }
0x67: {  	[hbm4b:s4+s2] =	stream.linear.scatter [tilespmem:s8], [sflag:$0xD], $0x2000, $0x38;
	[tilespmem:$0x10800] =	vst v63  }
0x68: {  	_ =	swait.ge [sflag:s25], $0x2000  }
0x69: {  	[sflag:s25] =	ssyncset.done $0x0  }
0x6a: {  	s9 =	rddreg [dreg:$0xa];
	[sflag:s25] =	ssyncadd.s32 $0xFFFFE000  }
0x6b: {  	[hbm4b:s9+s2] =	stream.linear.scatter [tilespmem:s12], [sflag:$0xE], $0x2000, $0x38;
	[tilespmem:$0x10800] =	vst v63  }
0x6c: {  	_ =	swait.ge [sflag:s24], $0x2000  }
0x6d: {  	[sflag:s24] =	ssyncset.done $0x0  }
0x6e: {  	s10 =	rddreg [dreg:$0xb];
	[sflag:s24] =	ssyncadd.s32 $0xFFFFE000  }
0x6f: {  	[hbm4b:s10+s2] =	stream.linear.scatter [tilespmem:s13], [sflag:$0xF], $0x2000, $0x38;
	[tilespmem:$0x10800] =	vst v63  }
0x70: {  	_ =	swait.ge [sflag:s23], $0x2000  }
0x71: {  	[sflag:s23] =	ssyncset.done $0x0  }
0x72: {  	s22 =	simm.s32 $0x9;
	s12 =	rddreg [dreg:$0xc];
	[sflag:s23] =	ssyncadd.s32 $0xFFFFE000  }
0x73: {  	[hbm4b:s12+s2] =	stream.linear.scatter [tilespmem:s6], [sflag:$0x10], $0x2000, $0x38;
	[tilespmem:$0x10800] =	vst v63  }
0x74: {  	_ =	swait.ge [sflag:s22], $0x2000  }
0x75: {  	[sflag:s22] =	ssyncset.done $0x0  }
0x76: {  	s1 =	simm.s32 $0xA;
	[sflag:s22] =	ssyncadd.s32 $0xFFFFE000  }
0x77: {  	_ =	swait.ge [sflag:s1], $0x2000  }
0x78: {  	[sflag:s1] =	ssyncset.done $0x0  }
0x79: {  	s21 =	simm.s32 $0xB;
	[sflag:s1] =	ssyncadd.s32 $0xFFFFE000  }
0x7a: {  	_ =	swait.ge [sflag:s21], $0x2000  }
0x7b: {  	[sflag:s21] =	ssyncset.done $0x0  }
0x7c: {  	s20 =	simm.s32 $0xC;
	[sflag:s21] =	ssyncadd.s32 $0xFFFFE000  }
0x7d: {  	_ =	swait.ge [sflag:s20], $0x2000  }
0x7e: {  	[sflag:s20] =	ssyncset.done $0x0  }
0x7f: {  	s18 =	simm.s32 $0xD;
	[sflag:s20] =	ssyncadd.s32 $0xFFFFE000  }
0x80: {  	_ =	swait.ge [sflag:s18], $0x2000  }
0x81: {  	[sflag:s18] =	ssyncset.done $0x0  }
0x82: {  	s17 =	simm.s32 $0xE;
	[sflag:s18] =	ssyncadd.s32 $0xFFFFE000  }
0x83: {  	_ =	swait.ge [sflag:s17], $0x2000  }
0x84: {  	[sflag:s17] =	ssyncset.done $0x0  }
0x85: {  	p1 =	sne.s32 s7, $0x1;
	s13 =	simm.s32 $0xF;
	[sflag:s17] =	ssyncadd.s32 $0xFFFFE000  }
.Ltmp1:
0x86: {  	_ =	swait.ge [sflag:s13], $0x2000;
	(pc) =	sbr.rel @!p1 .LBB2_6-.Ltmp1, $4  }
0x87: {  	[sflag:s13] =	ssyncset.done $0x0  }
0x88: {  	s14 =	simm.s32 $0x10;
	[sflag:s13] =	ssyncadd.s32 $0xFFFFE000  }
0x89: {  	s11 =	simm.s32 $0x11;
	p0 =	por $0x1, $0x1;
	_ =	swait.ge [sflag:s14], $0x2000  }
0x8a: {  	s0 =	sadd.s32 $0xFFFFFFFF, s7;
	s4 =	rddreg [dreg:$0x5];
	[sflag:s14] =	ssyncset.done $0x0  }
0x8b: {  	s13 =	simm.s32 $0x10  }
0x8c: {  	s14 =	simm.s32 $0x2800;
	s10 =	simm.s32 $0x4800;
	s9 =	simm.s32 $0x6800  }
0x8d: {  	s8 =	simm.s32 $0x8800;
	s7 =	simm.s32 $0xA800;
	s12 =	simm.s32 $0xC800  }
.LBB2_3:
0x8e: {  	[sflag:s13] =	ssyncadd.s32 $0xFFFFE000  }
0x8f: {  	[tilespmem:s2], [sflag:$0x11] =	stream.linear.gather [hbm4b:s4+s2], $0x800, $0x38;
	[tilespmem:$0x10800] =	vst v63  }
0x90: {  	_ =	swait.ge [sflag:s11], $0x800  }
0x91: {  	[sflag:s11] =	ssyncset.done $0x0  }
0x92: {  	[sflag:s11] =	ssyncadd.s32 $0xFFFFF800  }
0x93: {  	[tilespmem:s15], [sflag:$0x1] =	stream.indirect.gather [hbm4b:s19+s16], $0x80, s2, s16, $0xb8;
	[tilespmem:$0x10800] =	vst v63  }
0x94: {  	s4 =	rddreg [dreg:$0xd]  }
0x95: {  	[tilespmem:s14], [sflag:$0x2] =	stream.indirect.gather [hbm4b:s19+s16], $0x80, s4, s16, $0xb8;
	[tilespmem:$0x10800] =	vst v63  }
0x96: {  	s6 =	smov.u32 s5;
	s5 =	rddreg [dreg:$0xe]  }
0x97: {  	[tilespmem:s10], [sflag:$0x3] =	stream.indirect.gather [hbm4b:s19+s16], $0x80, s5, s16, $0xb8;
	[tilespmem:$0x10800] =	vst v63  }
0x98: {  	s4 =	rddreg [dreg:$0xf]  }
0x99: {  	[tilespmem:s9], [sflag:$0x4] =	stream.indirect.gather [hbm4b:s19+s16], $0x80, s4, s16, $0xb8;
	[tilespmem:$0x10800] =	vst v63  }
0x9a: {  	s5 =	rddreg [dreg:$0x10]  }
0x9b: {  	[tilespmem:s8], [sflag:$0x5] =	stream.indirect.gather [hbm4b:s19+s16], $0x80, s5, s16, $0xb8;
	[tilespmem:$0x10800] =	vst v63  }
0x9c: {  	s4 =	rddreg [dreg:$0x11]  }
0x9d: {  	[tilespmem:s7], [sflag:$0x6] =	stream.indirect.gather [hbm4b:s19+s16], $0x80, s4, s16, $0xb8;
	[tilespmem:$0x10800] =	vst v63  }
0x9e: {  	s5 =	rddreg [dreg:$0x12]  }
0x9f: {  	[tilespmem:s12], [sflag:$0x7] =	stream.indirect.gather [hbm4b:s19+s16], $0x80, s5, s16, $0xb8;
	[tilespmem:$0x10800] =	vst v63  }
0xa0: {  	s4 =	rddreg [dreg:$0x13];
	s5 =	smov.u32 s6;
	s6 =	simm.s32 $0xE800  }
0xa1: {  	[tilespmem:s6], [sflag:$0x8] =	stream.indirect.gather [hbm4b:s19+s16], $0x80, s4, s16, $0xb8;
	[tilespmem:$0x10800] =	vst v63  }
0xa2: {  	_ =	swait.ge [sflag:s31], $0x2000  }
0xa3: {  	[sflag:s31] =	ssyncset.done $0x0  }
0xa4: {  	s4 =	rddreg [dreg:$0x14];
	[sflag:s31] =	ssyncadd.s32 $0xFFFFE000  }
0xa5: {  	[tilespmem:s15], [sflag:$0x1] =	stream.indirect.gather.add.f32 [hbm:s3], $0x80, s4, s16, $0xb8;
	[tilespmem:$0x10800] =	vst v63  }
0xa6: {  	_ =	swait.ge [sflag:s30], $0x2000  }
0xa7: {  	[sflag:s30] =	ssyncset.done $0x0  }
0xa8: {  	s4 =	rddreg [dreg:$0x15];
	[sflag:s30] =	ssyncadd.s32 $0xFFFFE000  }
0xa9: {  	[tilespmem:s14], [sflag:$0x2] =	stream.indirect.gather.add.f32 [hbm:s3], $0x80, s4, s16, $0xb8;
	[tilespmem:$0x10800] =	vst v63  }
0xaa: {  	_ =	swait.ge [sflag:s29], $0x2000  }
0xab: {  	[sflag:s29] =	ssyncset.done $0x0  }
0xac: {  	s4 =	rddreg [dreg:$0x16];
	[sflag:s29] =	ssyncadd.s32 $0xFFFFE000  }
0xad: {  	[tilespmem:s10], [sflag:$0x3] =	stream.indirect.gather.add.f32 [hbm:s3], $0x80, s4, s16, $0xb8;
	[tilespmem:$0x10800] =	vst v63  }
0xae: {  	_ =	swait.ge [sflag:s28], $0x2000  }
0xaf: {  	[sflag:s28] =	ssyncset.done $0x0  }
0xb0: {  	s4 =	rddreg [dreg:$0x17];
	[sflag:s28] =	ssyncadd.s32 $0xFFFFE000  }
0xb1: {  	[tilespmem:s9], [sflag:$0x4] =	stream.indirect.gather.add.f32 [hbm:s3], $0x80, s4, s16, $0xb8;
	[tilespmem:$0x10800] =	vst v63  }
0xb2: {  	_ =	swait.ge [sflag:s26], $0x2000  }
0xb3: {  	[sflag:s26] =	ssyncset.done $0x0  }
0xb4: {  	s4 =	rddreg [dreg:$0x18];
	[sflag:s26] =	ssyncadd.s32 $0xFFFFE000  }
0xb5: {  	[tilespmem:s8], [sflag:$0x5] =	stream.indirect.gather.add.f32 [hbm:s3], $0x80, s4, s16, $0xb8;
	[tilespmem:$0x10800] =	vst v63  }
0xb6: {  	_ =	swait.ge [sflag:s25], $0x2000  }
0xb7: {  	[sflag:s25] =	ssyncset.done $0x0  }
0xb8: {  	s4 =	rddreg [dreg:$0x19];
	[sflag:s25] =	ssyncadd.s32 $0xFFFFE000  }
0xb9: {  	[tilespmem:s7], [sflag:$0x6] =	stream.indirect.gather.add.f32 [hbm:s3], $0x80, s4, s16, $0xb8;
	[tilespmem:$0x10800] =	vst v63  }
0xba: {  	_ =	swait.ge [sflag:s24], $0x2000  }
0xbb: {  	[sflag:s24] =	ssyncset.done $0x0  }
0xbc: {  	s4 =	rddreg [dreg:$0x1a];
	[sflag:s24] =	ssyncadd.s32 $0xFFFFE000  }
0xbd: {  	[tilespmem:s12], [sflag:$0x7] =	stream.indirect.gather.add.f32 [hbm:s3], $0x80, s4, s16, $0xb8;
	[tilespmem:$0x10800] =	vst v63  }
0xbe: {  	_ =	swait.ge [sflag:s23], $0x2000  }
0xbf: {  	[sflag:s23] =	ssyncset.done $0x0  }
0xc0: {  	s4 =	rddreg [dreg:$0x1b];
	[sflag:s23] =	ssyncadd.s32 $0xFFFFE000  }
0xc1: {  	[tilespmem:s6], [sflag:$0x8] =	stream.indirect.gather.add.f32 [hbm:s3], $0x80, s4, s16, $0xb8;
	[tilespmem:$0x10800] =	vst v63  }
0xc2: {  	_ =	swait.ge [sflag:s31], $0x2000  }
0xc3: {  	[sflag:s31] =	ssyncset.done $0x0  }
0xc4: {  	[sflag:s31] =	ssyncadd.s32 $0xFFFFE000  }
0xc5: {  	[hbm4b:s5+s2] =	stream.linear.scatter [tilespmem:s15], [sflag:$0x9], $0x2000, $0x38;
	[tilespmem:$0x10800] =	vst v63  }
0xc6: {  	_ =	swait.ge [sflag:s30], $0x2000  }
0xc7: {  	[sflag:s30] =	ssyncset.done $0x0  }
0xc8: {  	s4 =	rddreg [dreg:$0x6];
	[sflag:s30] =	ssyncadd.s32 $0xFFFFE000  }
0xc9: {  	[hbm4b:s4+s2] =	stream.linear.scatter [tilespmem:s14], [sflag:$0xA], $0x2000, $0x38;
	[tilespmem:$0x10800] =	vst v63  }
0xca: {  	_ =	swait.ge [sflag:s29], $0x2000  }
0xcb: {  	[sflag:s29] =	ssyncset.done $0x0  }
0xcc: {  	s4 =	rddreg [dreg:$0x7];
	[sflag:s29] =	ssyncadd.s32 $0xFFFFE000  }
0xcd: {  	[hbm4b:s4+s2] =	stream.linear.scatter [tilespmem:s10], [sflag:$0xB], $0x2000, $0x38;
	[tilespmem:$0x10800] =	vst v63  }
0xce: {  	_ =	swait.ge [sflag:s28], $0x2000  }
0xcf: {  	[sflag:s28] =	ssyncset.done $0x0  }
0xd0: {  	s4 =	rddreg [dreg:$0x8];
	[sflag:s28] =	ssyncadd.s32 $0xFFFFE000  }
0xd1: {  	[hbm4b:s4+s2] =	stream.linear.scatter [tilespmem:s9], [sflag:$0xC], $0x2000, $0x38;
	[tilespmem:$0x10800] =	vst v63  }
0xd2: {  	_ =	swait.ge [sflag:s26], $0x2000  }
0xd3: {  	[sflag:s26] =	ssyncset.done $0x0  }
0xd4: {  	s4 =	rddreg [dreg:$0x9];
	[sflag:s26] =	ssyncadd.s32 $0xFFFFE000  }
0xd5: {  	[hbm4b:s4+s2] =	stream.linear.scatter [tilespmem:s8], [sflag:$0xD], $0x2000, $0x38;
	[tilespmem:$0x10800] =	vst v63  }
0xd6: {  	_ =	swait.ge [sflag:s25], $0x2000  }
0xd7: {  	[sflag:s25] =	ssyncset.done $0x0  }
0xd8: {  	s4 =	rddreg [dreg:$0xa];
	[sflag:s25] =	ssyncadd.s32 $0xFFFFE000  }
0xd9: {  	[hbm4b:s4+s2] =	stream.linear.scatter [tilespmem:s7], [sflag:$0xE], $0x2000, $0x38;
	[tilespmem:$0x10800] =	vst v63  }
0xda: {  	_ =	swait.ge [sflag:s24], $0x2000  }
0xdb: {  	[sflag:s24] =	ssyncset.done $0x0  }
0xdc: {  	s4 =	rddreg [dreg:$0xb];
	[sflag:s24] =	ssyncadd.s32 $0xFFFFE000  }
0xdd: {  	[hbm4b:s4+s2] =	stream.linear.scatter [tilespmem:s12], [sflag:$0xF], $0x2000, $0x38;
	[tilespmem:$0x10800] =	vst v63  }
0xde: {  	_ =	swait.ge [sflag:s23], $0x2000  }
0xdf: {  	[sflag:s23] =	ssyncset.done $0x0  }
0xe0: {  	s4 =	rddreg [dreg:$0xc];
	[sflag:s23] =	ssyncadd.s32 $0xFFFFE000  }
0xe1: {  	[hbm4b:s4+s2] =	stream.linear.scatter [tilespmem:s6], [sflag:$0x10], $0x2000, $0x38;
	[tilespmem:$0x10800] =	vst v63  }
0xe2: {  	_ =	swait.ge [sflag:s22], $0x2000  }
0xe3: {  	[sflag:s22] =	ssyncset.done $0x0  }
0xe4: {  	[sflag:s22] =	ssyncadd.s32 $0xFFFFE000  }
0xe5: {  	_ =	swait.ge [sflag:s1], $0x2000  }
0xe6: {  	[sflag:s1] =	ssyncset.done $0x0  }
0xe7: {  	[sflag:s1] =	ssyncadd.s32 $0xFFFFE000  }
0xe8: {  	_ =	swait.ge [sflag:s21], $0x2000  }
0xe9: {  	[sflag:s21] =	ssyncset.done $0x0  }
0xea: {  	[sflag:s21] =	ssyncadd.s32 $0xFFFFE000  }
0xeb: {  	_ =	swait.ge [sflag:s20], $0x2000  }
0xec: {  	[sflag:s20] =	ssyncset.done $0x0  }
0xed: {  	[sflag:s20] =	ssyncadd.s32 $0xFFFFE000  }
0xee: {  	_ =	swait.ge [sflag:s18], $0x2000  }
0xef: {  	[sflag:s18] =	ssyncset.done $0x0  }
0xf0: {  	[sflag:s18] =	ssyncadd.s32 $0xFFFFE000  }
0xf1: {  	_ =	swait.ge [sflag:s17], $0x2000  }
0xf2: {  	[sflag:s17] =	ssyncset.done $0x0  }
0xf3: {  	p1 =	sne.s32 s0, $0x1;
	s4 =	simm.s32 $0xF;
	[sflag:s17] =	ssyncadd.s32 $0xFFFFE000  }
.Ltmp2:
0xf4: {  	_ =	swait.ge [sflag:s4], $0x2000;
	(pc) =	sbr.rel @p1 .LBB2_3-.Ltmp2, $4  }
0xf5: {  	[sflag:s4] =	ssyncset.done $0x0  }
0xf6: {  	[sflag:s4] =	ssyncadd.s32 $0xFFFFE000  }
0xf7: {  	_ =	swait.ge [sflag:s13], $0x2000  }
0xf8: {  	s0 =	sadd.s32 $0xFFFFFFFF, s0;
	s4 =	rddreg [dreg:$0x5];
	[sflag:s13] =	ssyncset.done $0x0  }
0xf9: {  	s0 =	simm.s32 $0x10;
	s12 =	simm.s32 $0x2800  }
0xfa: {  	s13 =	simm.s32 $0xF;
	s14 =	simm.s32 $0x800;
	s15 =	simm.s32 $0xE  }
0xfb: {  	s17 =	simm.s32 $0xD;
	s18 =	simm.s32 $0xC;
	s20 =	simm.s32 $0xB  }
0xfc: {  	s21 =	simm.s32 $0x9;
	s22 =	simm.s32 $0xA;
	s1 =	simm.s32 $0x11  }
.LBB2_5:
0xfd: {  	[sflag:s0] =	ssyncadd.s32 @p0 $0xFFFFE000  }
0xfe: {  	[tilespmem:s2], [sflag:$0x11] =	stream.linear.gather [hbm4b:s4+s2], $0x800, $0x38;
	[tilespmem:$0x10800] =	vst v63  }
0xff: {  	_ =	swait.ge [sflag:s1], $0x800  }
0x100: {  	[sflag:s1] =	ssyncset.done $0x0  }
0x101: {  	[sflag:s1] =	ssyncadd.s32 $0xFFFFF800  }
0x102: {  	[tilespmem:s14], [sflag:$0x1] =	stream.indirect.gather [hbm4b:s19+s16], $0x80, s2, s16, $0xb8;
	[tilespmem:$0x10800] =	vst v63  }
0x103: {  	s8 =	rddreg [dreg:$0xd]  }
0x104: {  	[tilespmem:s12], [sflag:$0x2] =	stream.indirect.gather [hbm4b:s19+s16], $0x80, s8, s16, $0xb8;
	[tilespmem:$0x10800] =	vst v63  }
0x105: {  	s10 =	simm.s32 $0x4800;
	s9 =	rddreg [dreg:$0xe]  }
0x106: {  	[tilespmem:s10], [sflag:$0x3] =	stream.indirect.gather [hbm4b:s19+s16], $0x80, s9, s16, $0xb8;
	[tilespmem:$0x10800] =	vst v63  }
0x107: {  	s4 =	rddreg [dreg:$0xf];
	s9 =	simm.s32 $0x6800  }
0x108: {  	[tilespmem:s9], [sflag:$0x4] =	stream.indirect.gather [hbm4b:s19+s16], $0x80, s4, s16, $0xb8;
	[tilespmem:$0x10800] =	vst v63  }
0x109: {  	s7 =	rddreg [dreg:$0x10];
	s8 =	simm.s32 $0x8800  }
0x10a: {  	[tilespmem:s8], [sflag:$0x5] =	stream.indirect.gather [hbm4b:s19+s16], $0x80, s7, s16, $0xb8;
	[tilespmem:$0x10800] =	vst v63  }
0x10b: {  	s4 =	rddreg [dreg:$0x11];
	s7 =	simm.s32 $0xA800  }
0x10c: {  	[tilespmem:s7], [sflag:$0x6] =	stream.indirect.gather [hbm4b:s19+s16], $0x80, s4, s16, $0xb8;
	[tilespmem:$0x10800] =	vst v63  }
0x10d: {  	s1 =	rddreg [dreg:$0x12];
	s4 =	simm.s32 $0xC800  }
0x10e: {  	[tilespmem:s4], [sflag:$0x7] =	stream.indirect.gather [hbm4b:s19+s16], $0x80, s1, s16, $0xb8;
	[tilespmem:$0x10800] =	vst v63  }
0x10f: {  	s0 =	rddreg [dreg:$0x13]  }
0x110: {  	[tilespmem:s6], [sflag:$0x8] =	stream.indirect.gather [hbm4b:s19+s16], $0x80, s0, s16, $0xb8;
	[tilespmem:$0x10800] =	vst v63  }
0x111: {  	_ =	swait.ge [sflag:s31], $0x2000  }
0x112: {  	[sflag:s31] =	ssyncset.done $0x0  }
0x113: {  	s19 =	rddreg [dreg:$0x14];
	[sflag:s31] =	ssyncadd.s32 $0xFFFFE000  }
0x114: {  	[tilespmem:s14], [sflag:$0x1] =	stream.indirect.gather.add.f32 [hbm:s3], $0x80, s19, s16, $0xb8;
	[tilespmem:$0x10800] =	vst v63  }
0x115: {  	_ =	swait.ge [sflag:s30], $0x2000  }
0x116: {  	[sflag:s30] =	ssyncset.done $0x0  }
0x117: {  	s1 =	rddreg [dreg:$0x15];
	[sflag:s30] =	ssyncadd.s32 $0xFFFFE000  }
0x118: {  	[tilespmem:s12], [sflag:$0x2] =	stream.indirect.gather.add.f32 [hbm:s3], $0x80, s1, s16, $0xb8;
	[tilespmem:$0x10800] =	vst v63  }
0x119: {  	_ =	swait.ge [sflag:s29], $0x2000  }
0x11a: {  	[sflag:s29] =	ssyncset.done $0x0  }
0x11b: {  	s19 =	rddreg [dreg:$0x16];
	[sflag:s29] =	ssyncadd.s32 $0xFFFFE000  }
0x11c: {  	[tilespmem:s10], [sflag:$0x3] =	stream.indirect.gather.add.f32 [hbm:s3], $0x80, s19, s16, $0xb8;
	[tilespmem:$0x10800] =	vst v63  }
0x11d: {  	_ =	swait.ge [sflag:s28], $0x2000  }
0x11e: {  	[sflag:s28] =	ssyncset.done $0x0  }
0x11f: {  	s1 =	rddreg [dreg:$0x17];
	[sflag:s28] =	ssyncadd.s32 $0xFFFFE000  }
0x120: {  	[tilespmem:s9], [sflag:$0x4] =	stream.indirect.gather.add.f32 [hbm:s3], $0x80, s1, s16, $0xb8;
	[tilespmem:$0x10800] =	vst v63  }
0x121: {  	_ =	swait.ge [sflag:s26], $0x2000  }
0x122: {  	[sflag:s26] =	ssyncset.done $0x0  }
0x123: {  	s19 =	rddreg [dreg:$0x18];
	[sflag:s26] =	ssyncadd.s32 $0xFFFFE000  }
0x124: {  	[tilespmem:s8], [sflag:$0x5] =	stream.indirect.gather.add.f32 [hbm:s3], $0x80, s19, s16, $0xb8;
	[tilespmem:$0x10800] =	vst v63  }
0x125: {  	_ =	swait.ge [sflag:s25], $0x2000  }
0x126: {  	[sflag:s25] =	ssyncset.done $0x0  }
0x127: {  	s1 =	rddreg [dreg:$0x19];
	[sflag:s25] =	ssyncadd.s32 $0xFFFFE000  }
0x128: {  	[tilespmem:s7], [sflag:$0x6] =	stream.indirect.gather.add.f32 [hbm:s3], $0x80, s1, s16, $0xb8;
	[tilespmem:$0x10800] =	vst v63  }
0x129: {  	_ =	swait.ge [sflag:s24], $0x2000  }
0x12a: {  	[sflag:s24] =	ssyncset.done $0x0  }
0x12b: {  	s19 =	rddreg [dreg:$0x1a];
	[sflag:s24] =	ssyncadd.s32 $0xFFFFE000  }
0x12c: {  	[tilespmem:s4], [sflag:$0x7] =	stream.indirect.gather.add.f32 [hbm:s3], $0x80, s19, s16, $0xb8;
	[tilespmem:$0x10800] =	vst v63  }
0x12d: {  	_ =	swait.ge [sflag:s23], $0x2000  }
0x12e: {  	[sflag:s23] =	ssyncset.done $0x0  }
0x12f: {  	s1 =	rddreg [dreg:$0x1b];
	[sflag:s23] =	ssyncadd.s32 $0xFFFFE000  }
0x130: {  	[tilespmem:s6], [sflag:$0x8] =	stream.indirect.gather.add.f32 [hbm:s3], $0x80, s1, s16, $0xb8;
	[tilespmem:$0x10800] =	vst v63  }
0x131: {  	_ =	swait.ge [sflag:s31], $0x2000  }
0x132: {  	[sflag:s31] =	ssyncset.done $0x0  }
0x133: {  	[sflag:s31] =	ssyncadd.s32 $0xFFFFE000  }
0x134: {  	[hbm4b:s5+s2] =	stream.linear.scatter [tilespmem:s14], [sflag:$0x9], $0x2000, $0x38;
	[tilespmem:$0x10800] =	vst v63  }
0x135: {  	_ =	swait.ge [sflag:s30], $0x2000  }
0x136: {  	[sflag:s30] =	ssyncset.done $0x0  }
0x137: {  	s5 =	rddreg [dreg:$0x6];
	[sflag:s30] =	ssyncadd.s32 $0xFFFFE000  }
0x138: {  	[hbm4b:s5+s2] =	stream.linear.scatter [tilespmem:s12], [sflag:$0xA], $0x2000, $0x38;
	[tilespmem:$0x10800] =	vst v63  }
0x139: {  	_ =	swait.ge [sflag:s29], $0x2000  }
0x13a: {  	[sflag:s29] =	ssyncset.done $0x0  }
0x13b: {  	s14 =	rddreg [dreg:$0x7];
	[sflag:s29] =	ssyncadd.s32 $0xFFFFE000  }
0x13c: {  	[hbm4b:s14+s2] =	stream.linear.scatter [tilespmem:s10], [sflag:$0xB], $0x2000, $0x38;
	[tilespmem:$0x10800] =	vst v63  }
0x13d: {  	_ =	swait.ge [sflag:s28], $0x2000  }
0x13e: {  	[sflag:s28] =	ssyncset.done $0x0  }
0x13f: {  	s16 =	rddreg [dreg:$0x8];
	[sflag:s28] =	ssyncadd.s32 $0xFFFFE000  }
0x140: {  	[hbm4b:s16+s2] =	stream.linear.scatter [tilespmem:s9], [sflag:$0xC], $0x2000, $0x38;
	[tilespmem:$0x10800] =	vst v63  }
0x141: {  	_ =	swait.ge [sflag:s26], $0x2000  }
0x142: {  	[sflag:s26] =	ssyncset.done $0x0  }
0x143: {  	s19 =	rddreg [dreg:$0x9];
	[sflag:s26] =	ssyncadd.s32 $0xFFFFE000  }
0x144: {  	[hbm4b:s19+s2] =	stream.linear.scatter [tilespmem:s8], [sflag:$0xD], $0x2000, $0x38;
	[tilespmem:$0x10800] =	vst v63  }
0x145: {  	_ =	swait.ge [sflag:s25], $0x2000  }
0x146: {  	[sflag:s25] =	ssyncset.done $0x0  }
0x147: {  	s28 =	rddreg [dreg:$0xa];
	[sflag:s25] =	ssyncadd.s32 $0xFFFFE000  }
0x148: {  	[hbm4b:s28+s2] =	stream.linear.scatter [tilespmem:s7], [sflag:$0xE], $0x2000, $0x38;
	[tilespmem:$0x10800] =	vst v63  }
0x149: {  	_ =	swait.ge [sflag:s24], $0x2000  }
0x14a: {  	[sflag:s24] =	ssyncset.done $0x0  }
0x14b: {  	s29 =	rddreg [dreg:$0xb];
	[sflag:s24] =	ssyncadd.s32 $0xFFFFE000  }
0x14c: {  	[hbm4b:s29+s2] =	stream.linear.scatter [tilespmem:s4], [sflag:$0xF], $0x2000, $0x38;
	[tilespmem:$0x10800] =	vst v63  }
0x14d: {  	_ =	swait.ge [sflag:s23], $0x2000  }
0x14e: {  	[sflag:s23] =	ssyncset.done $0x0  }
0x14f: {  	s30 =	rddreg [dreg:$0xc];
	[sflag:s23] =	ssyncadd.s32 $0xFFFFE000  }
0x150: {  	[hbm4b:s30+s2] =	stream.linear.scatter [tilespmem:s6], [sflag:$0x10], $0x2000, $0x38;
	[tilespmem:$0x10800] =	vst v63  }
0x151: {  	_ =	swait.ge [sflag:s21], $0x2000  }
0x152: {  	[sflag:s21] =	ssyncset.done $0x0  }
0x153: {  	[sflag:s21] =	ssyncadd.s32 $0xFFFFE000  }
0x154: {  	_ =	swait.ge [sflag:s22], $0x2000  }
0x155: {  	[sflag:s22] =	ssyncset.done $0x0  }
0x156: {  	[sflag:s22] =	ssyncadd.s32 $0xFFFFE000  }
0x157: {  	_ =	swait.ge [sflag:s20], $0x2000  }
0x158: {  	[sflag:s20] =	ssyncset.done $0x0  }
0x159: {  	[sflag:s20] =	ssyncadd.s32 $0xFFFFE000  }
0x15a: {  	_ =	swait.ge [sflag:s18], $0x2000  }
0x15b: {  	[sflag:s18] =	ssyncset.done $0x0  }
0x15c: {  	[sflag:s18] =	ssyncadd.s32 $0xFFFFE000  }
0x15d: {  	_ =	swait.ge [sflag:s17], $0x2000  }
0x15e: {  	[sflag:s17] =	ssyncset.done $0x0  }
0x15f: {  	[sflag:s17] =	ssyncadd.s32 $0xFFFFE000  }
0x160: {  	_ =	swait.ge [sflag:s15], $0x2000  }
0x161: {  	[sflag:s15] =	ssyncset.done $0x0  }
0x162: {  	[sflag:s15] =	ssyncadd.s32 $0xFFFFE000  }
0x163: {  	_ =	swait.ge [sflag:s13], $0x2000  }
0x164: {  	[sflag:s13] =	ssyncset.done $0x0  }
0x165: {  	s11 =	simm.s32 $0x10;
	[sflag:s13] =	ssyncadd.s32 $0xFFFFE000  }
0x166: {  	_ =	swait.ge [sflag:s11], $0x2000  }
0x167: {  	[sflag:s11] =	ssyncset.done $0x0  }
0x168: {  	[sflag:s11] =	ssyncadd.s32 $0xFFFFE000  }
0x169: {  	_ =	sfence.sel $0x180000  }
0x16a: {  	[bflag:$0x0] =	sbarrier.arrive $0xFFFF  }
0x16b: {  	_ =	strace $0x90000047  }
0x16c: {  	s31 =	stileid.u32;
	[bflag:$0x2] =	sbarrier.arrive $0xFFFF  }
0x16d: {  	p0 =	sne.s32 s31, $0x0;
	s0 =	rddreg [dreg:$0x4]  }
0x16e: {  	s0 =	sadd.s32 @!p0 $0x100000, s0  }
0x16f: {  	[sflag:s0] =	ssyncadd.tile.s32 @!p0 $0x1;
	_ =	shalt  }
.LBB2_6:
.Ltmp3:
0x170: {  	(pc) =	sbr.rel .LBB2_5-.Ltmp3, $4  }
0x171: {  	s0 =	simm.s32 $0x10;
	s12 =	simm.s32 $0x2800  }
0x172: {  	s13 =	simm.s32 $0xF;
	s14 =	simm.s32 $0x800;
	s15 =	simm.s32 $0xE  }
0x173: {  	s17 =	simm.s32 $0xD;
	s18 =	simm.s32 $0xC;
	s20 =	simm.s32 $0xB  }
0x174: {  	s21 =	simm.s32 $0x9;
	s22 =	simm.s32 $0xA;
	s1 =	simm.s32 $0x11  }
.Lfunc_end2:
_tile_overlayer_lowered:
.L_overlay_start_2:
0x175: {  	(tag) =	ssettag $0x2  }
0x176: {  	s0 =	rddreg [dreg:$0x0];
	s2 =	stileid.u32  }
0x177: {  	s1 =	rddreg [dreg:$0x1];
	p0 =	sne.s32 s2, $0x0  }
0x178: {  	s3 =	rddreg [dreg:$0x2];
	[bflag:$0x3] =	sbarrier.arrive $0xFFFF;
	s2 =	simm.s32 @!p0 $0x1C11  }
0x179: {  	[timem:s3], [sflag:s2] =	dma.local @!p0 [hbm:s0], s1  }
0x17a: {  	s0 =	simm.s32 @!p0 $0x11  }
0x17b: {  	_ =	swait.ge @!p0 [sflag:s0], s1  }
0x17c: {  	s1 =	ssub.s32 @!p0 $0x0, s1;
	[sflag:s0] =	ssyncset.done @!p0 $0x0  }
0x17d: {  	[sflag:s0] =	ssyncadd.s32 @!p0 s1  }
0x17e: {  	[bflag:$0x3] =	sbarrier.arrive $0xFFFF  }
0x17f: {  	_ =	shalt  }

</sc_bundles>
